<compile_context>
chip_gen: v7x
topology: tpu7x:2x2x1
jax: 0.10.2.dev20260603
libtpu: 0.0.44.dev20260713+nightly
codegen_flags: <defaults>
</compile_context>

<pallas_src>
import functools

import jax
import jax.numpy as jnp
from jax import lax
from jax.experimental import pallas as pl
from jax.experimental.pallas import tpu as pltpu
from jax.experimental.pallas import tpu_sc as plsc
from jax.scipy.linalg import block_diag

B, N, C, NPOINTS = 4, 4096, 64, 32
E_TOTAL = N * NPOINTS
TCOLS = B * 32
NB = 128
CHUNK = 128
NPARTS = 2
NPRE = 1024


def _pre_body(xyz_ref, feats_ref, wx_ref, wf_ref, bias_ref, tab_ref, ctr_ref):
    dn0 = (((0,), (0,)), ((), ()))
    p = (lax.dot_general(xyz_ref[...].reshape(3 * B, NPRE), wx_ref[...], dn0,
                         preferred_element_type=jnp.float32)
         + lax.dot_general(feats_ref[...].reshape(B * C, NPRE), wf_ref[...],
                           dn0, preferred_element_type=jnp.float32)
         + bias_ref[...])
    tab_ref[...] = p[:, :TCOLS]
    ctr_ref[...] = p[:, TCOLS:]


def _tc_pre(xyzT, features, wx, wf, bias):
    return pl.pallas_call(
        _pre_body,
        grid=(N // NPRE,),
        in_specs=[
            pl.BlockSpec((3, B, NPRE), lambda i: (0, 0, i)),
            pl.BlockSpec((B, C, NPRE), lambda i: (0, 0, i)),
            pl.BlockSpec((3 * B, 2 * TCOLS), lambda i: (0, 0)),
            pl.BlockSpec((B * C, 2 * TCOLS), lambda i: (0, 0)),
            pl.BlockSpec((1, 2 * TCOLS), lambda i: (0, 0)),
        ],
        out_specs=[
            pl.BlockSpec((NPRE, TCOLS), lambda i: (i, 0)),
            pl.BlockSpec((NPRE, TCOLS), lambda i: (i, 0)),
        ],
        out_shape=[
            jax.ShapeDtypeStruct((N, TCOLS), jnp.float32),
            jax.ShapeDtypeStruct((N, TCOLS), jnp.float32),
        ],
    )(xyzT, features, wx, wf, bias)


def _sc_gather(tab, idx3, n_edges):
    info = plsc.get_sparse_core_info()
    nc, ns = info.num_cores, info.num_subcores
    nw = nc * ns
    per_w = n_edges // nw
    steps = per_w // CHUNK
    mesh = plsc.VectorSubcoreMesh(core_axis_name="c", subcore_axis_name="s")

    @functools.partial(
        pl.kernel, mesh=mesh,
        out_type=jax.ShapeDtypeStruct((n_edges, TCOLS), jnp.float32),
        scratch_types=[
            pltpu.VMEM((steps, CHUNK), jnp.int32),
            pltpu.VMEM((CHUNK, TCOLS), jnp.float32),
            pltpu.VMEM((CHUNK, TCOLS), jnp.float32),
            pltpu.SemaphoreType.DMA,
            pltpu.SemaphoreType.DMA,
        ],
    )
    def gk(tab_hbm, idx_hbm, out_hbm, idx_v, row0, row1, sem0, sem1):
        wid = lax.axis_index("s") * nc + lax.axis_index("c")
        base = wid * per_w
        pltpu.sync_copy(idx_hbm.at[wid], idx_v)

        def gather(t, row, sem):
            pltpu.async_copy(tab_hbm.at[idx_v.at[t]], row, sem)

        def wait(row, sem):
            pltpu.make_async_copy(tab_hbm.at[idx_v.at[0]], row, sem).wait()

        def scatter(t, row):
            off = pl.multiple_of(base + t * CHUNK, CHUNK)
            pltpu.sync_copy(row, out_hbm.at[pl.ds(off, CHUNK)])

        gather(0, row0, sem0)

        def body(g, carry):
            t0 = g * 2
            gather(t0 + 1, row1, sem1)
            wait(row0, sem0)
            scatter(t0, row0)

            @pl.when(g < steps // 2 - 1)
            def _():
                gather(t0 + 2, row0, sem0)

            wait(row1, sem1)
            scatter(t0 + 1, row1)
            return carry

        lax.fori_loop(0, steps // 2, body, 0)

    return gk(tab, idx3)


def _post_body(e_ref, ctr_ref, wh4_ref, bh4_ref, wf4_ref, bf4_ref,
               feat_ref, acc_ref, out_ref):
    e = e_ref[0]
    ctr = ctr_ref[0]
    uv = jax.nn.relu(e.reshape(NB, NPOINTS, TCOLS) + ctr[:, None, :])
    h = jax.nn.relu(
        lax.dot_general(uv.reshape(NB * NPOINTS, TCOLS).astype(jnp.bfloat16),
                        wh4_ref[...], (((1,), (0,)), ((), ())),
                        preferred_element_type=jnp.float32)
        + bh4_ref[...])
    m = jnp.mean(h.reshape(NB, NPOINTS, TCOLS), axis=1)
    o = jax.nn.relu(
        lax.dot_general(wf4_ref[...], m.astype(jnp.bfloat16),
                        (((1,), (1,)), ((), ())),
                        preferred_element_type=jnp.float32)
        + bf4_ref[...])
    out_ref[...] = o.reshape(B, 64, NB) + feat_ref[...]


def _tc_post(e4, ctr3, wh4, bh4, wf4, bf4, features, acc, off, nblk):
    return pl.pallas_call(
        _post_body,
        grid=(nblk,),
        in_specs=[
            pl.BlockSpec((1, NB * NPOINTS, TCOLS), lambda i: (i, 0, 0)),
            pl.BlockSpec((1, NB, TCOLS), lambda i: (off + i, 0, 0)),
            pl.BlockSpec((TCOLS, TCOLS), lambda i: (0, 0)),
            pl.BlockSpec((1, TCOLS), lambda i: (0, 0)),
            pl.BlockSpec((B * 64, TCOLS), lambda i: (0, 0)),
            pl.BlockSpec((B * 64, 1), lambda i: (0, 0)),
            pl.BlockSpec((B, 64, NB), lambda i: (0, 0, off + i)),
            pl.BlockSpec((B, 64, NB), lambda i: (0, 0, off + i)),
        ],
        out_specs=pl.BlockSpec((B, 64, NB), lambda i: (0, 0, off + i)),
        out_shape=jax.ShapeDtypeStruct((B, 64, N), jnp.float32),
        input_output_aliases={7: 0},
    )(e4, ctr3, wh4, bh4, wf4, bf4, features, acc)


def kernel(xyz, features, neighbor_idx, Wgu, bgu, Wgv, bgv, Wh, bh, Wf, bf):
    idx_flat = neighbor_idx.astype(jnp.int32).reshape(E_TOTAL)
    z16 = jnp.zeros((1, 16), jnp.float32)
    wx_halves = []
    for wpart in (Wgu[:, 3:].T, Wgu[:, :3].T):
        rows = [block_diag(*([jnp.concatenate([wpart[d][None, :], z16],
                                              axis=1)] * B))
                for d in range(3)]
        wx_halves.append(jnp.stack(rows))
    wx = jnp.concatenate(wx_halves, axis=2).reshape(3 * B, 2 * TCOLS)
    gvp = jnp.concatenate([jnp.zeros((C, 16), jnp.float32), Wgv.T], axis=1)
    wf_half = block_diag(*([gvp] * B))
    wf_ = jnp.concatenate([wf_half, wf_half], axis=1)
    bias_half = jnp.tile(jnp.concatenate([bgu, bgv]), B)
    bias = jnp.concatenate([jnp.zeros((TCOLS,), jnp.float32),
                            bias_half]).reshape(1, 2 * TCOLS)
    xyzT = jnp.transpose(xyz, (2, 0, 1))
    tab, ctr = _tc_pre(xyzT, features, wx, wf_, bias)
    ctr3 = ctr.reshape(N // NB, NB, TCOLS)
    wh4 = block_diag(Wh.T, Wh.T, Wh.T, Wh.T).astype(jnp.bfloat16)
    bh4 = jnp.tile(bh, B).reshape(1, TCOLS)
    wf4 = block_diag(Wf, Wf, Wf, Wf).astype(jnp.bfloat16)
    bf4 = jnp.tile(bf, B).reshape(B * 64, 1)
    blk_split = (18, 14)
    out = jnp.zeros((B, 64, N), jnp.float32)
    off = 0
    for nblk in blk_split:
        ep = nblk * NB * NPOINTS
        idx3 = lax.dynamic_slice_in_dim(idx_flat, off * NB * NPOINTS, ep,
                                        0).reshape(32, ep // 32 // CHUNK, CHUNK)
        edges = _sc_gather(tab, idx3, ep)
        e4 = edges.reshape(nblk, NB * NPOINTS, TCOLS)
        out = _tc_post(e4, ctr3, wh4, bh4, wf4, bf4, features, out, off, nblk)
        off += nblk
    return (xyz, out)

# --- scband reference (transcript-rebuilt; emitter-appended) ---
"""Pipeline reference for scband-srnmodule-48026324303943 (READ-ONLY COPY).

The authoritative reference and input builder live on the scoring server;
editing this copy changes nothing except your own understanding.
"""

import jax, jax.numpy as jnp
import numpy as np

B, N, C, NPOINTS = 4, 4096, 64, 32
GU = (6, 16)
GV = (64, 16)
H = (32, 32)
F = (32, 64)


def _mlp(x, W, b):
    # SharedMLP with one Conv2d(cin, cout, kernel=1, bias=True) + ReLU (pt_utils default bn=False)
    y = jnp.einsum('bchw,oc->bohw', x, W) + b[None, :, None, None]
    return jax.nn.relu(y)


def setup_inputs(seed: int = 0) -> dict:
    key = jax.random.key(seed)
    ks = jax.random.split(key, 12)
    inp = {}
    inp['xyz'] = jax.random.normal(ks[0], (B, N, 3), dtype=jnp.float32)
    inp['features'] = jax.random.normal(ks[1], (B, C, N), dtype=jnp.float32)
    # the torch module draws np.random.choice neighbors inside forward; we materialize
    # the neighbor indices deterministically as an input (int constant)
    inp['neighbor_idx'] = jax.random.randint(ks[2], (N, NPOINTS), 0, N)
    inp['Wgu'] = jax.random.normal(ks[3], (GU[1], GU[0]), dtype=jnp.float32) * 0.05
    inp['bgu'] = jnp.zeros((GU[1],), dtype=jnp.float32)
    inp['Wgv'] = jax.random.normal(ks[4], (GV[1], GV[0]), dtype=jnp.float32) * 0.05
    inp['bgv'] = jnp.zeros((GV[1],), dtype=jnp.float32)
    inp['Wh'] = jax.random.normal(ks[5], (H[1], H[0]), dtype=jnp.float32) * 0.05
    inp['bh'] = jnp.zeros((H[1],), dtype=jnp.float32)
    inp['Wf'] = jax.random.normal(ks[6], (F[1], F[0]), dtype=jnp.float32) * 0.05
    inp['bf'] = jnp.zeros((F[1],), dtype=jnp.float32)
    return inp


def reference(xyz, features, neighbor_idx, Wgu, bgu, Wgv, bgv, Wh, bh, Wf, bf):
    # features: (B, C, N) -> (B, N, C)
    feats = jnp.transpose(features, (0, 2, 1))
    # gather neighbors for every query point (vectorized over the python loop)
    xyz_nb = xyz[:, neighbor_idx, :]        # (B, N, NPOINTS, 3)
    feat_nb = feats[:, neighbor_idx, :]     # (B, N, NPOINTS, C)
    center = jnp.broadcast_to(xyz[:, :, None, :], xyz_nb.shape)
    rel_xyz = jnp.concatenate([center, xyz_nb], axis=-1)      # (B, N, NPOINTS, 6)
    rel_feat = feat_nb + feats[:, :, None, :]                 # (B, N, NPOINTS, C)
    # stack(dim=-1).transpose(1,2) in torch -> (B, channel, NPOINTS, N)
    rel_xyz = jnp.transpose(rel_xyz, (0, 3, 2, 1))            # (B, 6, NPOINTS, N)
    rel_feat = jnp.transpose(rel_feat, (0, 3, 2, 1))          # (B, C, NPOINTS, N)
    gu_out = _mlp(rel_xyz, Wgu, bgu)                          # (B, 16, NPOINTS, N)
    gv_out = _mlp(rel_feat, Wgv, bgv)                         # (B, 16, NPOINTS, N)
    fuse_uv = jnp.concatenate([gu_out, gv_out], axis=1)       # (B, 32, NPOINTS, N)
    h_out = _mlp(fuse_uv, Wh, bh)                             # (B, 32, NPOINTS, N)
    unsq_h = jnp.mean(h_out, axis=-2)                         # (B, 32, N)
    out = _mlp(unsq_h[:, :, None, :], Wf, bf)[:, :, 0, :]     # (B, 64, N)
    return (xyz, out + features)


if False:  # reference __main__ guard neutralized (emitter)
    o = reference(**setup_inputs())
    print(o[0].shape, o[1].shape)

if __name__ == "__main__":
    import jax
    _d = setup_inputs()
    print(jax.jit(kernel)(*tuple(_d.values())))

</pallas_src>

<mosaic_0001>
#map = affine_map<(d0, d1) -> (0, 0)>
#map1 = affine_map<(d0, d1) -> (0, 0, 0)>
module attributes {stable_mosaic.version = 14 : i64} {
  func.func @gk(%arg0: i32, %arg1: i32, %arg2: memref<4096x128xf32, #tpu.memory_space<hbm>>, %arg3: memref<32x18x128xi32, #tpu.memory_space<hbm>>, %arg4: memref<73728x128xf32, #tpu.memory_space<hbm>>, %arg5: memref<18x128xi32, #tpu.memory_space<vmem>>, %arg6: memref<128x128xf32, #tpu.memory_space<vmem>>, %arg7: memref<128x128xf32, #tpu.memory_space<vmem>>, %arg8: memref<!tpu.dma_semaphore, #tpu.memory_space<semaphore_mem>>, %arg9: memref<!tpu.dma_semaphore, #tpu.memory_space<semaphore_mem>>) attributes {dimension_semantics = [#tpu.dimension_semantics<core_parallel>, #tpu.dimension_semantics<subcore_parallel>], iteration_bounds = array<i64: 2, 16>, scalar_prefetch = 0 : i64, scratch_operands = 5 : i64, tpu.core_type = #tpu.core_type<sc_vector_subcore>, window_params = [{transform_indices = #map}, {transform_indices = #map1}, {transform_indices = #map}]} {
    %mul3A = arith.constant 2 : i32
    %mul3A_0 = arith.muli %arg1, %mul3A : i32
    %add3A = arith.addi %mul3A_0, %arg0 : i32
    %mul3A_1 = arith.constant 2304 : i32
    %mul3A_2 = arith.muli %add3A, %mul3A_1 : i32
    "tpu.region"() ({
      %run_scoped3A = tpu.sem_alloc : memref<!tpu.dma_semaphore, #tpu.memory_space<semaphore_mem>>
      %dma_start3A_14 = arith.constant 0 : i32
      %dma_start3A_15 = arith.constant 0 : i32
      %dma_start3A_16 = tpu.memref_slice %arg3[%add3A, %dma_start3A_14, %dma_start3A_15] : memref<32x18x128xi32, #tpu.memory_space<hbm>> -> memref<1x18x128xi32, #tpu.memory_space<hbm>>
      %dma_start3A_17 = tpu.memref_squeeze %dma_start3A_16 : memref<1x18x128xi32, #tpu.memory_space<hbm>> -> memref<18x128xi32, #tpu.memory_space<hbm>>
      %dma_start3A_18 = arith.constant 0 : i32
      %dma_start3A_19 = arith.constant 0 : i32
      %dma_start3A_20 = tpu.memref_slice %arg3[%add3A, %dma_start3A_18, %dma_start3A_19] : memref<32x18x128xi32, #tpu.memory_space<hbm>> -> memref<1x18x128xi32, #tpu.memory_space<hbm>>
      %dma_start3A_21 = tpu.memref_squeeze %dma_start3A_20 : memref<1x18x128xi32, #tpu.memory_space<hbm>> -> memref<18x128xi32, #tpu.memory_space<hbm>>
      tpu.enqueue_dma source(%dma_start3A_21 : memref<18x128xi32, #tpu.memory_space<hbm>>) target(%arg5 : memref<18x128xi32, #tpu.memory_space<vmem>>) target_semaphore(%run_scoped3A : memref<!tpu.dma_semaphore, #tpu.memory_space<semaphore_mem>>)
      %dma_wait3A = arith.constant 0 : i32
      %dma_wait3A_22 = arith.constant 0 : i32
      %dma_wait3A_23 = tpu.memref_slice %arg3[%add3A, %dma_wait3A, %dma_wait3A_22] : memref<32x18x128xi32, #tpu.memory_space<hbm>> -> memref<1x18x128xi32, #tpu.memory_space<hbm>>
      %dma_wait3A_24 = tpu.memref_squeeze %dma_wait3A_23 : memref<1x18x128xi32, #tpu.memory_space<hbm>> -> memref<18x128xi32, #tpu.memory_space<hbm>>
      %dma_wait3A_25 = arith.constant 0 : i32
      %dma_wait3A_26 = arith.constant 0 : i32
      %dma_wait3A_27 = tpu.memref_slice %arg3[%add3A, %dma_wait3A_25, %dma_wait3A_26] : memref<32x18x128xi32, #tpu.memory_space<hbm>> -> memref<1x18x128xi32, #tpu.memory_space<hbm>>
      %dma_wait3A_28 = tpu.memref_squeeze %dma_wait3A_27 : memref<1x18x128xi32, #tpu.memory_space<hbm>> -> memref<18x128xi32, #tpu.memory_space<hbm>>
      tpu.wait_dma2 semaphore(%run_scoped3A : memref<!tpu.dma_semaphore, #tpu.memory_space<semaphore_mem>>) src(%dma_wait3A_28 : memref<18x128xi32, #tpu.memory_space<hbm>>) dst(%arg5 : memref<18x128xi32, #tpu.memory_space<vmem>>)
      tpu.yield
    }) : () -> ()
    %dma_start3A = arith.constant 0 : i32
    %dma_start3A_3 = arith.constant 0 : i32
    %dma_start3A_4 = tpu.memref_slice %arg5[%dma_start3A, %dma_start3A_3] : memref<18x128xi32, #tpu.memory_space<vmem>> -> memref<1x128xi32, #tpu.memory_space<vmem>>
    %dma_start3A_5 = tpu.memref_squeeze %dma_start3A_4 : memref<1x128xi32, #tpu.memory_space<vmem>> -> memref<128xi32, #tpu.memory_space<vmem>>
    %dma_start3A_6 = arith.constant 0 : i32
    %dma_start3A_7 = arith.constant 0 : i32
    %dma_start3A_8 = tpu.memref_slice %arg2[%dma_start3A_6, %dma_start3A_7] : memref<4096x128xf32, #tpu.memory_space<hbm>> -> memref<4096x128xf32, #tpu.memory_space<hbm>>
    tpu.enqueue_indirect_dma source(%dma_start3A_8 : memref<4096x128xf32, #tpu.memory_space<hbm>>) target(%arg6 : memref<128x128xf32, #tpu.memory_space<vmem>>) offsets(%dma_start3A_5 : memref<128xi32, #tpu.memory_space<vmem>>) semaphore(%arg8 : memref<!tpu.dma_semaphore, #tpu.memory_space<semaphore_mem>>)
    %scan3A = arith.constant 0 : i32
    %scan3A_9 = arith.constant 0 : i32
    %scan3A_10 = arith.constant 9 : i32
    %scan3A_11 = arith.addi %scan3A_9, %scan3A_10 : i32
    %scan3A_12 = arith.constant 1 : i32
    scf.for %scan3A_14 = %scan3A_9 to %scan3A_11 step %scan3A_12  : i32 {
      %mul3A_15 = arith.constant 2 : i32
      %mul3A_16 = arith.muli %scan3A_14, %mul3A_15 : i32
      %add3A_17 = arith.constant 1 : i32
      %add3A_18 = arith.addi %mul3A_16, %add3A_17 : i32
      %dma_start3A_19 = arith.constant 0 : i32
      %dma_start3A_20 = tpu.memref_slice %arg5[%add3A_18, %dma_start3A_19] : memref<18x128xi32, #tpu.memory_space<vmem>> -> memref<1x128xi32, #tpu.memory_space<vmem>>
      %dma_start3A_21 = tpu.memref_squeeze %dma_start3A_20 : memref<1x128xi32, #tpu.memory_space<vmem>> -> memref<128xi32, #tpu.memory_space<vmem>>
      %dma_start3A_22 = arith.constant 0 : i32
      %dma_start3A_23 = arith.constant 0 : i32
      %dma_start3A_24 = tpu.memref_slice %arg2[%dma_start3A_22, %dma_start3A_23] : memref<4096x128xf32, #tpu.memory_space<hbm>> -> memref<4096x128xf32, #tpu.memory_space<hbm>>
      tpu.enqueue_indirect_dma source(%dma_start3A_24 : memref<4096x128xf32, #tpu.memory_space<hbm>>) target(%arg7 : memref<128x128xf32, #tpu.memory_space<vmem>>) offsets(%dma_start3A_21 : memref<128xi32, #tpu.memory_space<vmem>>) semaphore(%arg9 : memref<!tpu.dma_semaphore, #tpu.memory_space<semaphore_mem>>)
      %dma_wait3A = arith.constant 0 : i32
      %dma_wait3A_25 = arith.constant 0 : i32
      %dma_wait3A_26 = tpu.memref_slice %arg5[%dma_wait3A, %dma_wait3A_25] : memref<18x128xi32, #tpu.memory_space<vmem>> -> memref<1x128xi32, #tpu.memory_space<vmem>>
      %dma_wait3A_27 = tpu.memref_squeeze %dma_wait3A_26 : memref<1x128xi32, #tpu.memory_space<vmem>> -> memref<128xi32, #tpu.memory_space<vmem>>
      %dma_wait3A_28 = arith.constant 0 : i32
      %dma_wait3A_29 = arith.constant 0 : i32
      %dma_wait3A_30 = tpu.memref_slice %arg2[%dma_wait3A_28, %dma_wait3A_29] : memref<4096x128xf32, #tpu.memory_space<hbm>> -> memref<4096x128xf32, #tpu.memory_space<hbm>>
      tpu.wait_indirect_dma semaphore(%arg8 : memref<!tpu.dma_semaphore, #tpu.memory_space<semaphore_mem>>) src(%dma_wait3A_30 : memref<4096x128xf32, #tpu.memory_space<hbm>>) dst(%arg6 : memref<128x128xf32, #tpu.memory_space<vmem>>)
      %mul3A_31 = arith.constant 128 : i32
      %mul3A_32 = arith.muli %mul3A_16, %mul3A_31 : i32
      %add3A_33 = arith.addi %mul3A_2, %mul3A_32 : i32
      %multiple_of3A = tpu.assume_multiple %add3A_33, 128 : i32
      "tpu.region"() ({
        %run_scoped3A = tpu.sem_alloc : memref<!tpu.dma_semaphore, #tpu.memory_space<semaphore_mem>>
        %dma_start3A_49 = arith.constant 0 : i32
        %dma_start3A_50 = tpu.memref_slice %arg4[%multiple_of3A, %dma_start3A_49] : memref<73728x128xf32, #tpu.memory_space<hbm>> -> memref<128x128xf32, #tpu.memory_space<hbm>>
        %dma_start3A_51 = arith.constant 0 : i32
        %dma_start3A_52 = tpu.memref_slice %arg4[%multiple_of3A, %dma_start3A_51] : memref<73728x128xf32, #tpu.memory_space<hbm>> -> memref<128x128xf32, #tpu.memory_space<hbm>>
        tpu.enqueue_dma source(%arg6 : memref<128x128xf32, #tpu.memory_space<vmem>>) target(%dma_start3A_52 : memref<128x128xf32, #tpu.memory_space<hbm>>) target_semaphore(%run_scoped3A : memref<!tpu.dma_semaphore, #tpu.memory_space<semaphore_mem>>)
        %dma_wait3A_53 = arith.constant 0 : i32
        %dma_wait3A_54 = tpu.memref_slice %arg4[%multiple_of3A, %dma_wait3A_53] : memref<73728x128xf32, #tpu.memory_space<hbm>> -> memref<128x128xf32, #tpu.memory_space<hbm>>
        %dma_wait3A_55 = arith.constant 0 : i32
        %dma_wait3A_56 = tpu.memref_slice %arg4[%multiple_of3A, %dma_wait3A_55] : memref<73728x128xf32, #tpu.memory_space<hbm>> -> memref<128x128xf32, #tpu.memory_space<hbm>>
        tpu.wait_dma2 semaphore(%run_scoped3A : memref<!tpu.dma_semaphore, #tpu.memory_space<semaphore_mem>>) src(%arg6 : memref<128x128xf32, #tpu.memory_space<vmem>>) dst(%dma_wait3A_56 : memref<128x128xf32, #tpu.memory_space<hbm>>)
        tpu.yield
      }) : () -> ()
      %lt3A = arith.constant 8 : i32
      %lt3A_34 = arith.cmpi slt, %scan3A_14, %lt3A : i32
      %convert_element_type3A = arith.extui %lt3A_34 : i1 to i32
      %cond3A = arith.constant 0 : i32
      %cond3A_35 = arith.cmpi ne, %convert_element_type3A, %cond3A : i32
      scf.if %cond3A_35 {
        %add3A_49 = arith.constant 2 : i32
        %add3A_50 = arith.addi %mul3A_16, %add3A_49 : i32
        %dma_start3A_51 = arith.constant 0 : i32
        %dma_start3A_52 = tpu.memref_slice %arg5[%add3A_50, %dma_start3A_51] : memref<18x128xi32, #tpu.memory_space<vmem>> -> memref<1x128xi32, #tpu.memory_space<vmem>>
        %dma_start3A_53 = tpu.memref_squeeze %dma_start3A_52 : memref<1x128xi32, #tpu.memory_space<vmem>> -> memref<128xi32, #tpu.memory_space<vmem>>
        %dma_start3A_54 = arith.constant 0 : i32
        %dma_start3A_55 = arith.constant 0 : i32
        %dma_start3A_56 = tpu.memref_slice %arg2[%dma_start3A_54, %dma_start3A_55] : memref<4096x128xf32, #tpu.memory_space<hbm>> -> memref<4096x128xf32, #tpu.memory_space<hbm>>
        tpu.enqueue_indirect_dma source(%dma_start3A_56 : memref<4096x128xf32, #tpu.memory_space<hbm>>) target(%arg6 : memref<128x128xf32, #tpu.memory_space<vmem>>) offsets(%dma_start3A_53 : memref<128xi32, #tpu.memory_space<vmem>>) semaphore(%arg8 : memref<!tpu.dma_semaphore, #tpu.memory_space<semaphore_mem>>)
      } else {
      }
      %dma_wait3A_36 = arith.constant 0 : i32
      %dma_wait3A_37 = arith.constant 0 : i32
      %dma_wait3A_38 = tpu.memref_slice %arg5[%dma_wait3A_36, %dma_wait3A_37] : memref<18x128xi32, #tpu.memory_space<vmem>> -> memref<1x128xi32, #tpu.memory_space<vmem>>
      %dma_wait3A_39 = tpu.memref_squeeze %dma_wait3A_38 : memref<1x128xi32, #tpu.memory_space<vmem>> -> memref<128xi32, #tpu.memory_space<vmem>>
      %dma_wait3A_40 = arith.constant 0 : i32
      %dma_wait3A_41 = arith.constant 0 : i32
      %dma_wait3A_42 = tpu.memref_slice %arg2[%dma_wait3A_40, %dma_wait3A_41] : memref<4096x128xf32, #tpu.memory_space<hbm>> -> memref<4096x128xf32, #tpu.memory_space<hbm>>
      tpu.wait_indirect_dma semaphore(%arg9 : memref<!tpu.dma_semaphore, #tpu.memory_space<semaphore_mem>>) src(%dma_wait3A_42 : memref<4096x128xf32, #tpu.memory_space<hbm>>) dst(%arg7 : memref<128x128xf32, #tpu.memory_space<vmem>>)
      %add3A_43 = arith.constant 1 : i32
      %add3A_44 = arith.addi %mul3A_16, %add3A_43 : i32
      %mul3A_45 = arith.constant 128 : i32
      %mul3A_46 = arith.muli %add3A_44, %mul3A_45 : i32
      %add3A_47 = arith.addi %mul3A_2, %mul3A_46 : i32
      %multiple_of3A_48 = tpu.assume_multiple %add3A_47, 128 : i32
      "tpu.region"() ({
        %run_scoped3A = tpu.sem_alloc : memref<!tpu.dma_semaphore, #tpu.memory_space<semaphore_mem>>
        %dma_start3A_49 = arith.constant 0 : i32
        %dma_start3A_50 = tpu.memref_slice %arg4[%multiple_of3A_48, %dma_start3A_49] : memref<73728x128xf32, #tpu.memory_space<hbm>> -> memref<128x128xf32, #tpu.memory_space<hbm>>
        %dma_start3A_51 = arith.constant 0 : i32
        %dma_start3A_52 = tpu.memref_slice %arg4[%multiple_of3A_48, %dma_start3A_51] : memref<73728x128xf32, #tpu.memory_space<hbm>> -> memref<128x128xf32, #tpu.memory_space<hbm>>
        tpu.enqueue_dma source(%arg7 : memref<128x128xf32, #tpu.memory_space<vmem>>) target(%dma_start3A_52 : memref<128x128xf32, #tpu.memory_space<hbm>>) target_semaphore(%run_scoped3A : memref<!tpu.dma_semaphore, #tpu.memory_space<semaphore_mem>>)
        %dma_wait3A_53 = arith.constant 0 : i32
        %dma_wait3A_54 = tpu.memref_slice %arg4[%multiple_of3A_48, %dma_wait3A_53] : memref<73728x128xf32, #tpu.memory_space<hbm>> -> memref<128x128xf32, #tpu.memory_space<hbm>>
        %dma_wait3A_55 = arith.constant 0 : i32
        %dma_wait3A_56 = tpu.memref_slice %arg4[%multiple_of3A_48, %dma_wait3A_55] : memref<73728x128xf32, #tpu.memory_space<hbm>> -> memref<128x128xf32, #tpu.memory_space<hbm>>
        tpu.wait_dma2 semaphore(%run_scoped3A : memref<!tpu.dma_semaphore, #tpu.memory_space<semaphore_mem>>) src(%arg7 : memref<128x128xf32, #tpu.memory_space<vmem>>) dst(%dma_wait3A_56 : memref<128x128xf32, #tpu.memory_space<hbm>>)
        tpu.yield
      }) : () -> ()
    }
    %scan3A_13 = arith.constant 9 : i32
    return
  }
}

#map = affine_map<(d0, d1) -> (0, 0)>
#map1 = affine_map<(d0, d1) -> (0, 0, 0)>
module attributes {stable_mosaic.version = 14 : i64} {
  func.func @gk(%arg0: i32, %arg1: i32, %arg2: memref<4096x128xf32, #tpu.memory_space<hbm>>, %arg3: memref<32x14x128xi32, #tpu.memory_space<hbm>>, %arg4: memref<57344x128xf32, #tpu.memory_space<hbm>>, %arg5: memref<14x128xi32, #tpu.memory_space<vmem>>, %arg6: memref<128x128xf32, #tpu.memory_space<vmem>>, %arg7: memref<128x128xf32, #tpu.memory_space<vmem>>, %arg8: memref<!tpu.dma_semaphore, #tpu.memory_space<semaphore_mem>>, %arg9: memref<!tpu.dma_semaphore, #tpu.memory_space<semaphore_mem>>) attributes {dimension_semantics = [#tpu.dimension_semantics<core_parallel>, #tpu.dimension_semantics<subcore_parallel>], iteration_bounds = array<i64: 2, 16>, scalar_prefetch = 0 : i64, scratch_operands = 5 : i64, tpu.core_type = #tpu.core_type<sc_vector_subcore>, window_params = [{transform_indices = #map}, {transform_indices = #map1}, {transform_indices = #map}]} {
    %mul3A = arith.constant 2 : i32
    %mul3A_0 = arith.muli %arg1, %mul3A : i32
    %add3A = arith.addi %mul3A_0, %arg0 : i32
    %mul3A_1 = arith.constant 1792 : i32
    %mul3A_2 = arith.muli %add3A, %mul3A_1 : i32
    "tpu.region"() ({
      %run_scoped3A = tpu.sem_alloc : memref<!tpu.dma_semaphore, #tpu.memory_space<semaphore_mem>>
      %dma_start3A_14 = arith.constant 0 : i32
      %dma_start3A_15 = arith.constant 0 : i32
      %dma_start3A_16 = tpu.memref_slice %arg3[%add3A, %dma_start3A_14, %dma_start3A_15] : memref<32x14x128xi32, #tpu.memory_space<hbm>> -> memref<1x14x128xi32, #tpu.memory_space<hbm>>
      %dma_start3A_17 = tpu.memref_squeeze %dma_start3A_16 : memref<1x14x128xi32, #tpu.memory_space<hbm>> -> memref<14x128xi32, #tpu.memory_space<hbm>>
      %dma_start3A_18 = arith.constant 0 : i32
      %dma_start3A_19 = arith.constant 0 : i32
      %dma_start3A_20 = tpu.memref_slice %arg3[%add3A, %dma_start3A_18, %dma_start3A_19] : memref<32x14x128xi32, #tpu.memory_space<hbm>> -> memref<1x14x128xi32, #tpu.memory_space<hbm>>
      %dma_start3A_21 = tpu.memref_squeeze %dma_start3A_20 : memref<1x14x128xi32, #tpu.memory_space<hbm>> -> memref<14x128xi32, #tpu.memory_space<hbm>>
      tpu.enqueue_dma source(%dma_start3A_21 : memref<14x128xi32, #tpu.memory_space<hbm>>) target(%arg5 : memref<14x128xi32, #tpu.memory_space<vmem>>) target_semaphore(%run_scoped3A : memref<!tpu.dma_semaphore, #tpu.memory_space<semaphore_mem>>)
      %dma_wait3A = arith.constant 0 : i32
      %dma_wait3A_22 = arith.constant 0 : i32
      %dma_wait3A_23 = tpu.memref_slice %arg3[%add3A, %dma_wait3A, %dma_wait3A_22] : memref<32x14x128xi32, #tpu.memory_space<hbm>> -> memref<1x14x128xi32, #tpu.memory_space<hbm>>
      %dma_wait3A_24 = tpu.memref_squeeze %dma_wait3A_23 : memref<1x14x128xi32, #tpu.memory_space<hbm>> -> memref<14x128xi32, #tpu.memory_space<hbm>>
      %dma_wait3A_25 = arith.constant 0 : i32
      %dma_wait3A_26 = arith.constant 0 : i32
      %dma_wait3A_27 = tpu.memref_slice %arg3[%add3A, %dma_wait3A_25, %dma_wait3A_26] : memref<32x14x128xi32, #tpu.memory_space<hbm>> -> memref<1x14x128xi32, #tpu.memory_space<hbm>>
      %dma_wait3A_28 = tpu.memref_squeeze %dma_wait3A_27 : memref<1x14x128xi32, #tpu.memory_space<hbm>> -> memref<14x128xi32, #tpu.memory_space<hbm>>
      tpu.wait_dma2 semaphore(%run_scoped3A : memref<!tpu.dma_semaphore, #tpu.memory_space<semaphore_mem>>) src(%dma_wait3A_28 : memref<14x128xi32, #tpu.memory_space<hbm>>) dst(%arg5 : memref<14x128xi32, #tpu.memory_space<vmem>>)
      tpu.yield
    }) : () -> ()
    %dma_start3A = arith.constant 0 : i32
    %dma_start3A_3 = arith.constant 0 : i32
    %dma_start3A_4 = tpu.memref_slice %arg5[%dma_start3A, %dma_start3A_3] : memref<14x128xi32, #tpu.memory_space<vmem>> -> memref<1x128xi32, #tpu.memory_space<vmem>>
    %dma_start3A_5 = tpu.memref_squeeze %dma_start3A_4 : memref<1x128xi32, #tpu.memory_space<vmem>> -> memref<128xi32, #tpu.memory_space<vmem>>
    %dma_start3A_6 = arith.constant 0 : i32
    %dma_start3A_7 = arith.constant 0 : i32
    %dma_start3A_8 = tpu.memref_slice %arg2[%dma_start3A_6, %dma_start3A_7] : memref<4096x128xf32, #tpu.memory_space<hbm>> -> memref<4096x128xf32, #tpu.memory_space<hbm>>
    tpu.enqueue_indirect_dma source(%dma_start3A_8 : memref<4096x128xf32, #tpu.memory_space<hbm>>) target(%arg6 : memref<128x128xf32, #tpu.memory_space<vmem>>) offsets(%dma_start3A_5 : memref<128xi32, #tpu.memory_space<vmem>>) semaphore(%arg8 : memref<!tpu.dma_semaphore, #tpu.memory_space<semaphore_mem>>)
    %scan3A = arith.constant 0 : i32
    %scan3A_9 = arith.constant 0 : i32
    %scan3A_10 = arith.constant 7 : i32
    %scan3A_11 = arith.addi %scan3A_9, %scan3A_10 : i32
    %scan3A_12 = arith.constant 1 : i32
    scf.for %scan3A_14 = %scan3A_9 to %scan3A_11 step %scan3A_12  : i32 {
      %mul3A_15 = arith.constant 2 : i32
      %mul3A_16 = arith.muli %scan3A_14, %mul3A_15 : i32
      %add3A_17 = arith.constant 1 : i32
      %add3A_18 = arith.addi %mul3A_16, %add3A_17 : i32
      %dma_start3A_19 = arith.constant 0 : i32
      %dma_start3A_20 = tpu.memref_slice %arg5[%add3A_18, %dma_start3A_19] : memref<14x128xi32, #tpu.memory_space<vmem>> -> memref<1x128xi32, #tpu.memory_space<vmem>>
      %dma_start3A_21 = tpu.memref_squeeze %dma_start3A_20 : memref<1x128xi32, #tpu.memory_space<vmem>> -> memref<128xi32, #tpu.memory_space<vmem>>
      %dma_start3A_22 = arith.constant 0 : i32
      %dma_start3A_23 = arith.constant 0 : i32
      %dma_start3A_24 = tpu.memref_slice %arg2[%dma_start3A_22, %dma_start3A_23] : memref<4096x128xf32, #tpu.memory_space<hbm>> -> memref<4096x128xf32, #tpu.memory_space<hbm>>
      tpu.enqueue_indirect_dma source(%dma_start3A_24 : memref<4096x128xf32, #tpu.memory_space<hbm>>) target(%arg7 : memref<128x128xf32, #tpu.memory_space<vmem>>) offsets(%dma_start3A_21 : memref<128xi32, #tpu.memory_space<vmem>>) semaphore(%arg9 : memref<!tpu.dma_semaphore, #tpu.memory_space<semaphore_mem>>)
      %dma_wait3A = arith.constant 0 : i32
      %dma_wait3A_25 = arith.constant 0 : i32
      %dma_wait3A_26 = tpu.memref_slice %arg5[%dma_wait3A, %dma_wait3A_25] : memref<14x128xi32, #tpu.memory_space<vmem>> -> memref<1x128xi32, #tpu.memory_space<vmem>>
      %dma_wait3A_27 = tpu.memref_squeeze %dma_wait3A_26 : memref<1x128xi32, #tpu.memory_space<vmem>> -> memref<128xi32, #tpu.memory_space<vmem>>
      %dma_wait3A_28 = arith.constant 0 : i32
      %dma_wait3A_29 = arith.constant 0 : i32
      %dma_wait3A_30 = tpu.memref_slice %arg2[%dma_wait3A_28, %dma_wait3A_29] : memref<4096x128xf32, #tpu.memory_space<hbm>> -> memref<4096x128xf32, #tpu.memory_space<hbm>>
      tpu.wait_indirect_dma semaphore(%arg8 : memref<!tpu.dma_semaphore, #tpu.memory_space<semaphore_mem>>) src(%dma_wait3A_30 : memref<4096x128xf32, #tpu.memory_space<hbm>>) dst(%arg6 : memref<128x128xf32, #tpu.memory_space<vmem>>)
      %mul3A_31 = arith.constant 128 : i32
      %mul3A_32 = arith.muli %mul3A_16, %mul3A_31 : i32
      %add3A_33 = arith.addi %mul3A_2, %mul3A_32 : i32
      %multiple_of3A = tpu.assume_multiple %add3A_33, 128 : i32
      "tpu.region"() ({
        %run_scoped3A = tpu.sem_alloc : memref<!tpu.dma_semaphore, #tpu.memory_space<semaphore_mem>>
        %dma_start3A_49 = arith.constant 0 : i32
        %dma_start3A_50 = tpu.memref_slice %arg4[%multiple_of3A, %dma_start3A_49] : memref<57344x128xf32, #tpu.memory_space<hbm>> -> memref<128x128xf32, #tpu.memory_space<hbm>>
        %dma_start3A_51 = arith.constant 0 : i32
        %dma_start3A_52 = tpu.memref_slice %arg4[%multiple_of3A, %dma_start3A_51] : memref<57344x128xf32, #tpu.memory_space<hbm>> -> memref<128x128xf32, #tpu.memory_space<hbm>>
        tpu.enqueue_dma source(%arg6 : memref<128x128xf32, #tpu.memory_space<vmem>>) target(%dma_start3A_52 : memref<128x128xf32, #tpu.memory_space<hbm>>) target_semaphore(%run_scoped3A : memref<!tpu.dma_semaphore, #tpu.memory_space<semaphore_mem>>)
        %dma_wait3A_53 = arith.constant 0 : i32
        %dma_wait3A_54 = tpu.memref_slice %arg4[%multiple_of3A, %dma_wait3A_53] : memref<57344x128xf32, #tpu.memory_space<hbm>> -> memref<128x128xf32, #tpu.memory_space<hbm>>
        %dma_wait3A_55 = arith.constant 0 : i32
        %dma_wait3A_56 = tpu.memref_slice %arg4[%multiple_of3A, %dma_wait3A_55] : memref<57344x128xf32, #tpu.memory_space<hbm>> -> memref<128x128xf32, #tpu.memory_space<hbm>>
        tpu.wait_dma2 semaphore(%run_scoped3A : memref<!tpu.dma_semaphore, #tpu.memory_space<semaphore_mem>>) src(%arg6 : memref<128x128xf32, #tpu.memory_space<vmem>>) dst(%dma_wait3A_56 : memref<128x128xf32, #tpu.memory_space<hbm>>)
        tpu.yield
      }) : () -> ()
      %lt3A = arith.constant 6 : i32
      %lt3A_34 = arith.cmpi slt, %scan3A_14, %lt3A : i32
      %convert_element_type3A = arith.extui %lt3A_34 : i1 to i32
      %cond3A = arith.constant 0 : i32
      %cond3A_35 = arith.cmpi ne, %convert_element_type3A, %cond3A : i32
      scf.if %cond3A_35 {
        %add3A_49 = arith.constant 2 : i32
        %add3A_50 = arith.addi %mul3A_16, %add3A_49 : i32
        %dma_start3A_51 = arith.constant 0 : i32
        %dma_start3A_52 = tpu.memref_slice %arg5[%add3A_50, %dma_start3A_51] : memref<14x128xi32, #tpu.memory_space<vmem>> -> memref<1x128xi32, #tpu.memory_space<vmem>>
        %dma_start3A_53 = tpu.memref_squeeze %dma_start3A_52 : memref<1x128xi32, #tpu.memory_space<vmem>> -> memref<128xi32, #tpu.memory_space<vmem>>
        %dma_start3A_54 = arith.constant 0 : i32
        %dma_start3A_55 = arith.constant 0 : i32
        %dma_start3A_56 = tpu.memref_slice %arg2[%dma_start3A_54, %dma_start3A_55] : memref<4096x128xf32, #tpu.memory_space<hbm>> -> memref<4096x128xf32, #tpu.memory_space<hbm>>
        tpu.enqueue_indirect_dma source(%dma_start3A_56 : memref<4096x128xf32, #tpu.memory_space<hbm>>) target(%arg6 : memref<128x128xf32, #tpu.memory_space<vmem>>) offsets(%dma_start3A_53 : memref<128xi32, #tpu.memory_space<vmem>>) semaphore(%arg8 : memref<!tpu.dma_semaphore, #tpu.memory_space<semaphore_mem>>)
      } else {
      }
      %dma_wait3A_36 = arith.constant 0 : i32
      %dma_wait3A_37 = arith.constant 0 : i32
      %dma_wait3A_38 = tpu.memref_slice %arg5[%dma_wait3A_36, %dma_wait3A_37] : memref<14x128xi32, #tpu.memory_space<vmem>> -> memref<1x128xi32, #tpu.memory_space<vmem>>
      %dma_wait3A_39 = tpu.memref_squeeze %dma_wait3A_38 : memref<1x128xi32, #tpu.memory_space<vmem>> -> memref<128xi32, #tpu.memory_space<vmem>>
      %dma_wait3A_40 = arith.constant 0 : i32
      %dma_wait3A_41 = arith.constant 0 : i32
      %dma_wait3A_42 = tpu.memref_slice %arg2[%dma_wait3A_40, %dma_wait3A_41] : memref<4096x128xf32, #tpu.memory_space<hbm>> -> memref<4096x128xf32, #tpu.memory_space<hbm>>
      tpu.wait_indirect_dma semaphore(%arg9 : memref<!tpu.dma_semaphore, #tpu.memory_space<semaphore_mem>>) src(%dma_wait3A_42 : memref<4096x128xf32, #tpu.memory_space<hbm>>) dst(%arg7 : memref<128x128xf32, #tpu.memory_space<vmem>>)
      %add3A_43 = arith.constant 1 : i32
      %add3A_44 = arith.addi %mul3A_16, %add3A_43 : i32
      %mul3A_45 = arith.constant 128 : i32
      %mul3A_46 = arith.muli %add3A_44, %mul3A_45 : i32
      %add3A_47 = arith.addi %mul3A_2, %mul3A_46 : i32
      %multiple_of3A_48 = tpu.assume_multiple %add3A_47, 128 : i32
      "tpu.region"() ({
        %run_scoped3A = tpu.sem_alloc : memref<!tpu.dma_semaphore, #tpu.memory_space<semaphore_mem>>
        %dma_start3A_49 = arith.constant 0 : i32
        %dma_start3A_50 = tpu.memref_slice %arg4[%multiple_of3A_48, %dma_start3A_49] : memref<57344x128xf32, #tpu.memory_space<hbm>> -> memref<128x128xf32, #tpu.memory_space<hbm>>
        %dma_start3A_51 = arith.constant 0 : i32
        %dma_start3A_52 = tpu.memref_slice %arg4[%multiple_of3A_48, %dma_start3A_51] : memref<57344x128xf32, #tpu.memory_space<hbm>> -> memref<128x128xf32, #tpu.memory_space<hbm>>
        tpu.enqueue_dma source(%arg7 : memref<128x128xf32, #tpu.memory_space<vmem>>) target(%dma_start3A_52 : memref<128x128xf32, #tpu.memory_space<hbm>>) target_semaphore(%run_scoped3A : memref<!tpu.dma_semaphore, #tpu.memory_space<semaphore_mem>>)
        %dma_wait3A_53 = arith.constant 0 : i32
        %dma_wait3A_54 = tpu.memref_slice %arg4[%multiple_of3A_48, %dma_wait3A_53] : memref<57344x128xf32, #tpu.memory_space<hbm>> -> memref<128x128xf32, #tpu.memory_space<hbm>>
        %dma_wait3A_55 = arith.constant 0 : i32
        %dma_wait3A_56 = tpu.memref_slice %arg4[%multiple_of3A_48, %dma_wait3A_55] : memref<57344x128xf32, #tpu.memory_space<hbm>> -> memref<128x128xf32, #tpu.memory_space<hbm>>
        tpu.wait_dma2 semaphore(%run_scoped3A : memref<!tpu.dma_semaphore, #tpu.memory_space<semaphore_mem>>) src(%arg7 : memref<128x128xf32, #tpu.memory_space<vmem>>) dst(%dma_wait3A_56 : memref<128x128xf32, #tpu.memory_space<hbm>>)
        tpu.yield
      }) : () -> ()
    }
    %scan3A_13 = arith.constant 7 : i32
    return
  }
}

module attributes {stable_mosaic.version = 14 : i64} {
  func.func @_pre_body(%arg0: i32, %arg1: memref<3x4x1024xf32, #tpu.memory_space<vmem>>, %arg2: memref<4x64x1024xf32, #tpu.memory_space<vmem>>, %arg3: memref<12x256xf32, #tpu.memory_space<vmem>>, %arg4: memref<256x256xf32, #tpu.memory_space<vmem>>, %arg5: memref<1x256xf32, #tpu.memory_space<vmem>>, %arg6: memref<1024x128xf32, #tpu.memory_space<vmem>>, %arg7: memref<1024x128xf32, #tpu.memory_space<vmem>>) attributes {dimension_semantics = [#tpu.dimension_semantics<arbitrary>], iteration_bounds = array<i64: 4>, scalar_prefetch = 0 : i64, scratch_operands = 0 : i64, tpu.core_type = #tpu.core_type<tc>, window_params = [{transform_indices = @transform_0, window_bounds = array<i64: 3, 4, 1024>}, {transform_indices = @transform_1, window_bounds = array<i64: 4, 64, 1024>}, {pipeline_mode = #tpu.pipeline_mode<synchronous>, transform_indices = @transform_2, window_bounds = array<i64: 12, 256>}, {pipeline_mode = #tpu.pipeline_mode<synchronous>, transform_indices = @transform_3, window_bounds = array<i64: 256, 256>}, {pipeline_mode = #tpu.pipeline_mode<synchronous>, transform_indices = @transform_4, window_bounds = array<i64: 1, 256>}, {transform_indices = @transform_5, window_bounds = array<i64: 1024, 128>}, {transform_indices = @transform_6, window_bounds = array<i64: 1024, 128>}]} {
    %get3A = arith.constant 0 : index
    %get3A_0 = arith.constant 0 : index
    %get3A_1 = arith.constant 0 : index
    %get3A_2 = vector.load %arg1[%get3A, %get3A_0, %get3A_1] : memref<3x4x1024xf32, #tpu.memory_space<vmem>>, vector<3x4x1024xf32>
    %reshape3A = vector.shape_cast %get3A_2 : vector<3x4x1024xf32> to vector<12x1024xf32>
    %get3A_3 = arith.constant 0 : index
    %get3A_4 = arith.constant 0 : index
    %get3A_5 = vector.load %arg3[%get3A_3, %get3A_4] : memref<12x256xf32, #tpu.memory_space<vmem>>, vector<12x256xf32>
    %dot_general3A = arith.constant dense<0.000000e+00> : vector<1024x256xf32>
    %dot_general3A_6 = tpu.matmul %reshape3A, %get3A_5, %dot_general3A {dimension_numbers = #tpu.dot_dimension_numbers<[0], [0], [1], [1], [0, 1, 1, 1], [], []>, transpose_lhs_hint = false} : vector<12x1024xf32>, vector<12x256xf32>, vector<1024x256xf32> -> vector<1024x256xf32>
    %get3A_7 = arith.constant 0 : index
    %get3A_8 = arith.constant 0 : index
    %get3A_9 = arith.constant 0 : index
    %get3A_10 = vector.load %arg2[%get3A_7, %get3A_8, %get3A_9] : memref<4x64x1024xf32, #tpu.memory_space<vmem>>, vector<4x64x1024xf32>
    %reshape3A_11 = vector.shape_cast %get3A_10 : vector<4x64x1024xf32> to vector<256x1024xf32>
    %get3A_12 = arith.constant 0 : index
    %get3A_13 = arith.constant 0 : index
    %get3A_14 = vector.load %arg4[%get3A_12, %get3A_13] : memref<256x256xf32, #tpu.memory_space<vmem>>, vector<256x256xf32>
    %dot_general3A_15 = arith.constant dense<0.000000e+00> : vector<1024x256xf32>
    %dot_general3A_16 = tpu.matmul %reshape3A_11, %get3A_14, %dot_general3A_15 {dimension_numbers = #tpu.dot_dimension_numbers<[0], [0], [1], [1], [0, 1, 1, 1], [], []>, transpose_lhs_hint = false} : vector<256x1024xf32>, vector<256x256xf32>, vector<1024x256xf32> -> vector<1024x256xf32>
    %add3A = arith.addf %dot_general3A_6, %dot_general3A_16 : vector<1024x256xf32>
    %get3A_17 = arith.constant 0 : index
    %get3A_18 = arith.constant 0 : index
    %get3A_19 = vector.load %arg5[%get3A_17, %get3A_18] : memref<1x256xf32, #tpu.memory_space<vmem>>, vector<1x256xf32>
    %add3A_20 = vector.broadcast %get3A_19 : vector<1x256xf32> to vector<1024x256xf32>
    %add3A_21 = arith.addf %add3A, %add3A_20 : vector<1024x256xf32>
    %slice3A = vector.extract_strided_slice %add3A_21 {offsets = [0, 0], sizes = [1024, 128], strides = [1, 1]} : vector<1024x256xf32> to vector<1024x128xf32>
    %swap3A = arith.constant 0 : index
    %swap3A_22 = arith.constant 0 : index
    %swap3A_23 = vector.load %arg6[%swap3A, %swap3A_22] : memref<1024x128xf32, #tpu.memory_space<vmem>>, vector<1024x128xf32>
    tpu.vector_store %arg6[%swap3A, %swap3A_22], %slice3A {strides = array<i32>} : memref<1024x128xf32, #tpu.memory_space<vmem>>, vector<1024x128xf32>,
    %slice3A_24 = vector.extract_strided_slice %add3A_21 {offsets = [0, 128], sizes = [1024, 128], strides = [1, 1]} : vector<1024x256xf32> to vector<1024x128xf32>
    %swap3A_25 = arith.constant 0 : index
    %swap3A_26 = arith.constant 0 : index
    %swap3A_27 = vector.load %arg7[%swap3A_25, %swap3A_26] : memref<1024x128xf32, #tpu.memory_space<vmem>>, vector<1024x128xf32>
    tpu.vector_store %arg7[%swap3A_25, %swap3A_26], %slice3A_24 {strides = array<i32>} : memref<1024x128xf32, #tpu.memory_space<vmem>>, vector<1024x128xf32>,
    return
  }
  func.func @transform_0(%arg0: i32) -> (i32, i32, i32) {
    %c0_i32 = arith.constant 0 : i32
    %c0_i32_0 = arith.constant 0 : i32
    %c0_i32_1 = arith.constant 0 : i32
    return %c0_i32, %c0_i32_0, %arg0 : i32, i32, i32
  }
  func.func @transform_1(%arg0: i32) -> (i32, i32, i32) {
    %c0_i32 = arith.constant 0 : i32
    %c0_i32_0 = arith.constant 0 : i32
    %c0_i32_1 = arith.constant 0 : i32
    return %c0_i32, %c0_i32_0, %arg0 : i32, i32, i32
  }
  func.func @transform_2(%arg0: i32) -> (i32, i32) {
    %c0_i32 = arith.constant 0 : i32
    %c0_i32_0 = arith.constant 0 : i32
    %c0_i32_1 = arith.constant 0 : i32
    return %c0_i32, %c0_i32_0 : i32, i32
  }
  func.func @transform_3(%arg0: i32) -> (i32, i32) {
    %c0_i32 = arith.constant 0 : i32
    %c0_i32_0 = arith.constant 0 : i32
    %c0_i32_1 = arith.constant 0 : i32
    return %c0_i32, %c0_i32_0 : i32, i32
  }
  func.func @transform_4(%arg0: i32) -> (i32, i32) {
    %c0_i32 = arith.constant 0 : i32
    %c0_i32_0 = arith.constant 0 : i32
    %c0_i32_1 = arith.constant 0 : i32
    return %c0_i32, %c0_i32_0 : i32, i32
  }
  func.func @transform_5(%arg0: i32) -> (i32, i32) {
    %c0_i32 = arith.constant 0 : i32
    %c0_i32_0 = arith.constant 0 : i32
    return %arg0, %c0_i32 : i32, i32
  }
  func.func @transform_6(%arg0: i32) -> (i32, i32) {
    %c0_i32 = arith.constant 0 : i32
    %c0_i32_0 = arith.constant 0 : i32
    return %arg0, %c0_i32 : i32, i32
  }
}

module attributes {stable_mosaic.version = 14 : i64} {
  func.func @_post_body(%arg0: i32, %arg1: memref<1x4096x128xf32, #tpu.memory_space<vmem>>, %arg2: memref<1x128x128xf32, #tpu.memory_space<vmem>>, %arg3: memref<128x128xbf16, #tpu.memory_space<vmem>>, %arg4: memref<1x128xf32, #tpu.memory_space<vmem>>, %arg5: memref<256x128xbf16, #tpu.memory_space<vmem>>, %arg6: memref<256x1xf32, #tpu.memory_space<vmem>>, %arg7: memref<4x64x128xf32, #tpu.memory_space<vmem>>, %arg8: memref<4x64x128xf32, #tpu.memory_space<vmem>>, %arg9: memref<4x64x128xf32, #tpu.memory_space<vmem>>) attributes {dimension_semantics = [#tpu.dimension_semantics<arbitrary>], iteration_bounds = array<i64: 18>, scalar_prefetch = 0 : i64, scratch_operands = 0 : i64, tpu.core_type = #tpu.core_type<tc>, window_params = [{transform_indices = @transform_0, window_bounds = array<i64: 1, 4096, 128>}, {transform_indices = @transform_1, window_bounds = array<i64: 1, 128, 128>}, {pipeline_mode = #tpu.pipeline_mode<synchronous>, transform_indices = @transform_2, window_bounds = array<i64: 128, 128>}, {pipeline_mode = #tpu.pipeline_mode<synchronous>, transform_indices = @transform_3, window_bounds = array<i64: 1, 128>}, {pipeline_mode = #tpu.pipeline_mode<synchronous>, transform_indices = @transform_4, window_bounds = array<i64: 256, 128>}, {pipeline_mode = #tpu.pipeline_mode<synchronous>, transform_indices = @transform_5, window_bounds = array<i64: 256, 1>}, {transform_indices = @transform_6, window_bounds = array<i64: 4, 64, 128>}, {transform_indices = @transform_7, window_bounds = array<i64: 4, 64, 128>}, {transform_indices = @transform_8, window_bounds = array<i64: 4, 64, 128>}]} {
    %get3A = arith.constant 0 : index
    %get3A_0 = arith.constant 0 : index
    %get3A_1 = arith.constant 0 : index
    %get3A_2 = vector.load %arg1[%get3A, %get3A_0, %get3A_1] : memref<1x4096x128xf32, #tpu.memory_space<vmem>>, vector<1x4096x128xf32>
    %get3A_3 = vector.shape_cast %get3A_2 : vector<1x4096x128xf32> to vector<4096x128xf32>
    %get3A_4 = arith.constant 0 : index
    %get3A_5 = arith.constant 0 : index
    %get3A_6 = arith.constant 0 : index
    %get3A_7 = vector.load %arg2[%get3A_4, %get3A_5, %get3A_6] : memref<1x128x128xf32, #tpu.memory_space<vmem>>, vector<1x128x128xf32>
    %get3A_8 = vector.shape_cast %get3A_7 : vector<1x128x128xf32> to vector<128x128xf32>
    %reshape3A = vector.shape_cast %get3A_3 : vector<4096x128xf32> to vector<128x32x128xf32>
    %broadcast_in_dim3A = vector.shape_cast %get3A_8 : vector<128x128xf32> to vector<128x1x128xf32>
    %add3A = vector.broadcast %broadcast_in_dim3A : vector<128x1x128xf32> to vector<128x32x128xf32>
    %add3A_9 = arith.addf %reshape3A, %add3A : vector<128x32x128xf32>
    %max3A = arith.constant 0.000000e+00 : f32
    %max3A_10 = vector.broadcast %max3A : f32 to vector<128x32x128xf32>
    %max3A_11 = arith.maximumf %add3A_9, %max3A_10 : vector<128x32x128xf32>
    %reshape3A_12 = vector.shape_cast %max3A_11 : vector<128x32x128xf32> to vector<4096x128xf32>
    %convert_element_type3A = arith.truncf %reshape3A_12 : vector<4096x128xf32> to vector<4096x128xbf16>
    %get3A_13 = arith.constant 0 : index
    %get3A_14 = arith.constant 0 : index
    %get3A_15 = vector.load %arg3[%get3A_13, %get3A_14] : memref<128x128xbf16, #tpu.memory_space<vmem>>, vector<128x128xbf16>
    %dot_general3A = arith.constant dense<0.000000e+00> : vector<4096x128xf32>
    %dot_general3A_16 = tpu.matmul %convert_element_type3A, %get3A_15, %dot_general3A {dimension_numbers = #tpu.dot_dimension_numbers<[1], [0], [0], [1], [0, 0, 1, 1], [], []>, transpose_lhs_hint = false} : vector<4096x128xbf16>, vector<128x128xbf16>, vector<4096x128xf32> -> vector<4096x128xf32>
    %get3A_17 = arith.constant 0 : index
    %get3A_18 = arith.constant 0 : index
    %get3A_19 = vector.load %arg4[%get3A_17, %get3A_18] : memref<1x128xf32, #tpu.memory_space<vmem>>, vector<1x128xf32>
    %add3A_20 = vector.broadcast %get3A_19 : vector<1x128xf32> to vector<4096x128xf32>
    %add3A_21 = arith.addf %dot_general3A_16, %add3A_20 : vector<4096x128xf32>
    %max3A_22 = arith.constant 0.000000e+00 : f32
    %max3A_23 = vector.broadcast %max3A_22 : f32 to vector<4096x128xf32>
    %max3A_24 = arith.maximumf %add3A_21, %max3A_23 : vector<4096x128xf32>
    %reshape3A_25 = vector.shape_cast %max3A_24 : vector<4096x128xf32> to vector<128x32x128xf32>
    %reduce_sum3A = arith.constant dense<0.000000e+00> : vector<128x128xf32>
    %reduce_sum3A_26 = vector.multi_reduction <add>, %reshape3A_25, %reduce_sum3A [1] : vector<128x32x128xf32> to vector<128x128xf32>
    %div3A = arith.constant 3.200000e+01 : f32
    %div3A_27 = vector.broadcast %div3A : f32 to vector<128x128xf32>
    %div3A_28 = arith.divf %reduce_sum3A_26, %div3A_27 : vector<128x128xf32>
    %get3A_29 = arith.constant 0 : index
    %get3A_30 = arith.constant 0 : index
    %get3A_31 = vector.load %arg5[%get3A_29, %get3A_30] : memref<256x128xbf16, #tpu.memory_space<vmem>>, vector<256x128xbf16>
    %convert_element_type3A_32 = arith.truncf %div3A_28 : vector<128x128xf32> to vector<128x128xbf16>
    %dot_general3A_33 = arith.constant dense<0.000000e+00> : vector<256x128xf32>
    %dot_general3A_34 = tpu.matmul %get3A_31, %convert_element_type3A_32, %dot_general3A_33 {dimension_numbers = #tpu.dot_dimension_numbers<[1], [1], [0], [0], [0, 0, 1, 0], [], []>, transpose_lhs_hint = false} : vector<256x128xbf16>, vector<128x128xbf16>, vector<256x128xf32> -> vector<256x128xf32>
    %get3A_35 = arith.constant 0 : index
    %get3A_36 = arith.constant 0 : index
    %get3A_37 = vector.load %arg6[%get3A_35, %get3A_36] : memref<256x1xf32, #tpu.memory_space<vmem>>, vector<256x1xf32>
    %add3A_38 = vector.broadcast %get3A_37 : vector<256x1xf32> to vector<256x128xf32>
    %add3A_39 = arith.addf %dot_general3A_34, %add3A_38 : vector<256x128xf32>
    %max3A_40 = arith.constant 0.000000e+00 : f32
    %max3A_41 = vector.broadcast %max3A_40 : f32 to vector<256x128xf32>
    %max3A_42 = arith.maximumf %add3A_39, %max3A_41 : vector<256x128xf32>
    %reshape3A_43 = vector.shape_cast %max3A_42 : vector<256x128xf32> to vector<4x64x128xf32>
    %get3A_44 = arith.constant 0 : index
    %get3A_45 = arith.constant 0 : index
    %get3A_46 = arith.constant 0 : index
    %get3A_47 = vector.load %arg7[%get3A_44, %get3A_45, %get3A_46] : memref<4x64x128xf32, #tpu.memory_space<vmem>>, vector<4x64x128xf32>
    %add3A_48 = arith.addf %reshape3A_43, %get3A_47 : vector<4x64x128xf32>
    %swap3A = arith.constant 0 : index
    %swap3A_49 = arith.constant 0 : index
    %swap3A_50 = arith.constant 0 : index
    %swap3A_51 = vector.load %arg9[%swap3A, %swap3A_49, %swap3A_50] : memref<4x64x128xf32, #tpu.memory_space<vmem>>, vector<4x64x128xf32>
    tpu.vector_store %arg9[%swap3A, %swap3A_49, %swap3A_50], %add3A_48 {strides = array<i32>} : memref<4x64x128xf32, #tpu.memory_space<vmem>>, vector<4x64x128xf32>,
    return
  }
  func.func @transform_0(%arg0: i32) -> (i32, i32, i32) {
    %c0_i32 = arith.constant 0 : i32
    %c0_i32_0 = arith.constant 0 : i32
    %c0_i32_1 = arith.constant 0 : i32
    return %arg0, %c0_i32, %c0_i32_0 : i32, i32, i32
  }
  func.func @transform_1(%arg0: i32) -> (i32, i32, i32) {
    %add3A = arith.constant 0 : i32
    %add3A_0 = arith.addi %add3A, %arg0 : i32
    %c0_i32 = arith.constant 0 : i32
    %c0_i32_1 = arith.constant 0 : i32
    %c0_i32_2 = arith.constant 0 : i32
    return %add3A_0, %c0_i32, %c0_i32_1 : i32, i32, i32
  }
  func.func @transform_2(%arg0: i32) -> (i32, i32) {
    %c0_i32 = arith.constant 0 : i32
    %c0_i32_0 = arith.constant 0 : i32
    %c0_i32_1 = arith.constant 0 : i32
    return %c0_i32, %c0_i32_0 : i32, i32
  }
  func.func @transform_3(%arg0: i32) -> (i32, i32) {
    %c0_i32 = arith.constant 0 : i32
    %c0_i32_0 = arith.constant 0 : i32
    %c0_i32_1 = arith.constant 0 : i32
    return %c0_i32, %c0_i32_0 : i32, i32
  }
  func.func @transform_4(%arg0: i32) -> (i32, i32) {
    %c0_i32 = arith.constant 0 : i32
    %c0_i32_0 = arith.constant 0 : i32
    %c0_i32_1 = arith.constant 0 : i32
    return %c0_i32, %c0_i32_0 : i32, i32
  }
  func.func @transform_5(%arg0: i32) -> (i32, i32) {
    %c0_i32 = arith.constant 0 : i32
    %c0_i32_0 = arith.constant 0 : i32
    %c0_i32_1 = arith.constant 0 : i32
    return %c0_i32, %c0_i32_0 : i32, i32
  }
  func.func @transform_6(%arg0: i32) -> (i32, i32, i32) {
    %add3A = arith.constant 0 : i32
    %add3A_0 = arith.addi %add3A, %arg0 : i32
    %c0_i32 = arith.constant 0 : i32
    %c0_i32_1 = arith.constant 0 : i32
    %c0_i32_2 = arith.constant 0 : i32
    return %c0_i32, %c0_i32_1, %add3A_0 : i32, i32, i32
  }
  func.func @transform_7(%arg0: i32) -> (i32, i32, i32) {
    %add3A = arith.constant 0 : i32
    %add3A_0 = arith.addi %add3A, %arg0 : i32
    %c0_i32 = arith.constant 0 : i32
    %c0_i32_1 = arith.constant 0 : i32
    %c0_i32_2 = arith.constant 0 : i32
    return %c0_i32, %c0_i32_1, %add3A_0 : i32, i32, i32
  }
  func.func @transform_8(%arg0: i32) -> (i32, i32, i32) {
    %add3A = arith.constant 0 : i32
    %add3A_0 = arith.addi %add3A, %arg0 : i32
    %c0_i32 = arith.constant 0 : i32
    %c0_i32_1 = arith.constant 0 : i32
    %c0_i32_2 = arith.constant 0 : i32
    return %c0_i32, %c0_i32_1, %add3A_0 : i32, i32, i32
  }
}

module attributes {stable_mosaic.version = 14 : i64} {
  func.func @_post_body(%arg0: i32, %arg1: memref<1x4096x128xf32, #tpu.memory_space<vmem>>, %arg2: memref<1x128x128xf32, #tpu.memory_space<vmem>>, %arg3: memref<128x128xbf16, #tpu.memory_space<vmem>>, %arg4: memref<1x128xf32, #tpu.memory_space<vmem>>, %arg5: memref<256x128xbf16, #tpu.memory_space<vmem>>, %arg6: memref<256x1xf32, #tpu.memory_space<vmem>>, %arg7: memref<4x64x128xf32, #tpu.memory_space<vmem>>, %arg8: memref<4x64x128xf32, #tpu.memory_space<vmem>>, %arg9: memref<4x64x128xf32, #tpu.memory_space<vmem>>) attributes {dimension_semantics = [#tpu.dimension_semantics<arbitrary>], iteration_bounds = array<i64: 14>, scalar_prefetch = 0 : i64, scratch_operands = 0 : i64, tpu.core_type = #tpu.core_type<tc>, window_params = [{transform_indices = @transform_0, window_bounds = array<i64: 1, 4096, 128>}, {transform_indices = @transform_1, window_bounds = array<i64: 1, 128, 128>}, {pipeline_mode = #tpu.pipeline_mode<synchronous>, transform_indices = @transform_2, window_bounds = array<i64: 128, 128>}, {pipeline_mode = #tpu.pipeline_mode<synchronous>, transform_indices = @transform_3, window_bounds = array<i64: 1, 128>}, {pipeline_mode = #tpu.pipeline_mode<synchronous>, transform_indices = @transform_4, window_bounds = array<i64: 256, 128>}, {pipeline_mode = #tpu.pipeline_mode<synchronous>, transform_indices = @transform_5, window_bounds = array<i64: 256, 1>}, {transform_indices = @transform_6, window_bounds = array<i64: 4, 64, 128>}, {transform_indices = @transform_7, window_bounds = array<i64: 4, 64, 128>}, {transform_indices = @transform_8, window_bounds = array<i64: 4, 64, 128>}]} {
    %get3A = arith.constant 0 : index
    %get3A_0 = arith.constant 0 : index
    %get3A_1 = arith.constant 0 : index
    %get3A_2 = vector.load %arg1[%get3A, %get3A_0, %get3A_1] : memref<1x4096x128xf32, #tpu.memory_space<vmem>>, vector<1x4096x128xf32>
    %get3A_3 = vector.shape_cast %get3A_2 : vector<1x4096x128xf32> to vector<4096x128xf32>
    %get3A_4 = arith.constant 0 : index
    %get3A_5 = arith.constant 0 : index
    %get3A_6 = arith.constant 0 : index
    %get3A_7 = vector.load %arg2[%get3A_4, %get3A_5, %get3A_6] : memref<1x128x128xf32, #tpu.memory_space<vmem>>, vector<1x128x128xf32>
    %get3A_8 = vector.shape_cast %get3A_7 : vector<1x128x128xf32> to vector<128x128xf32>
    %reshape3A = vector.shape_cast %get3A_3 : vector<4096x128xf32> to vector<128x32x128xf32>
    %broadcast_in_dim3A = vector.shape_cast %get3A_8 : vector<128x128xf32> to vector<128x1x128xf32>
    %add3A = vector.broadcast %broadcast_in_dim3A : vector<128x1x128xf32> to vector<128x32x128xf32>
    %add3A_9 = arith.addf %reshape3A, %add3A : vector<128x32x128xf32>
    %max3A = arith.constant 0.000000e+00 : f32
    %max3A_10 = vector.broadcast %max3A : f32 to vector<128x32x128xf32>
    %max3A_11 = arith.maximumf %add3A_9, %max3A_10 : vector<128x32x128xf32>
    %reshape3A_12 = vector.shape_cast %max3A_11 : vector<128x32x128xf32> to vector<4096x128xf32>
    %convert_element_type3A = arith.truncf %reshape3A_12 : vector<4096x128xf32> to vector<4096x128xbf16>
    %get3A_13 = arith.constant 0 : index
    %get3A_14 = arith.constant 0 : index
    %get3A_15 = vector.load %arg3[%get3A_13, %get3A_14] : memref<128x128xbf16, #tpu.memory_space<vmem>>, vector<128x128xbf16>
    %dot_general3A = arith.constant dense<0.000000e+00> : vector<4096x128xf32>
    %dot_general3A_16 = tpu.matmul %convert_element_type3A, %get3A_15, %dot_general3A {dimension_numbers = #tpu.dot_dimension_numbers<[1], [0], [0], [1], [0, 0, 1, 1], [], []>, transpose_lhs_hint = false} : vector<4096x128xbf16>, vector<128x128xbf16>, vector<4096x128xf32> -> vector<4096x128xf32>
    %get3A_17 = arith.constant 0 : index
    %get3A_18 = arith.constant 0 : index
    %get3A_19 = vector.load %arg4[%get3A_17, %get3A_18] : memref<1x128xf32, #tpu.memory_space<vmem>>, vector<1x128xf32>
    %add3A_20 = vector.broadcast %get3A_19 : vector<1x128xf32> to vector<4096x128xf32>
    %add3A_21 = arith.addf %dot_general3A_16, %add3A_20 : vector<4096x128xf32>
    %max3A_22 = arith.constant 0.000000e+00 : f32
    %max3A_23 = vector.broadcast %max3A_22 : f32 to vector<4096x128xf32>
    %max3A_24 = arith.maximumf %add3A_21, %max3A_23 : vector<4096x128xf32>
    %reshape3A_25 = vector.shape_cast %max3A_24 : vector<4096x128xf32> to vector<128x32x128xf32>
    %reduce_sum3A = arith.constant dense<0.000000e+00> : vector<128x128xf32>
    %reduce_sum3A_26 = vector.multi_reduction <add>, %reshape3A_25, %reduce_sum3A [1] : vector<128x32x128xf32> to vector<128x128xf32>
    %div3A = arith.constant 3.200000e+01 : f32
    %div3A_27 = vector.broadcast %div3A : f32 to vector<128x128xf32>
    %div3A_28 = arith.divf %reduce_sum3A_26, %div3A_27 : vector<128x128xf32>
    %get3A_29 = arith.constant 0 : index
    %get3A_30 = arith.constant 0 : index
    %get3A_31 = vector.load %arg5[%get3A_29, %get3A_30] : memref<256x128xbf16, #tpu.memory_space<vmem>>, vector<256x128xbf16>
    %convert_element_type3A_32 = arith.truncf %div3A_28 : vector<128x128xf32> to vector<128x128xbf16>
    %dot_general3A_33 = arith.constant dense<0.000000e+00> : vector<256x128xf32>
    %dot_general3A_34 = tpu.matmul %get3A_31, %convert_element_type3A_32, %dot_general3A_33 {dimension_numbers = #tpu.dot_dimension_numbers<[1], [1], [0], [0], [0, 0, 1, 0], [], []>, transpose_lhs_hint = false} : vector<256x128xbf16>, vector<128x128xbf16>, vector<256x128xf32> -> vector<256x128xf32>
    %get3A_35 = arith.constant 0 : index
    %get3A_36 = arith.constant 0 : index
    %get3A_37 = vector.load %arg6[%get3A_35, %get3A_36] : memref<256x1xf32, #tpu.memory_space<vmem>>, vector<256x1xf32>
    %add3A_38 = vector.broadcast %get3A_37 : vector<256x1xf32> to vector<256x128xf32>
    %add3A_39 = arith.addf %dot_general3A_34, %add3A_38 : vector<256x128xf32>
    %max3A_40 = arith.constant 0.000000e+00 : f32
    %max3A_41 = vector.broadcast %max3A_40 : f32 to vector<256x128xf32>
    %max3A_42 = arith.maximumf %add3A_39, %max3A_41 : vector<256x128xf32>
    %reshape3A_43 = vector.shape_cast %max3A_42 : vector<256x128xf32> to vector<4x64x128xf32>
    %get3A_44 = arith.constant 0 : index
    %get3A_45 = arith.constant 0 : index
    %get3A_46 = arith.constant 0 : index
    %get3A_47 = vector.load %arg7[%get3A_44, %get3A_45, %get3A_46] : memref<4x64x128xf32, #tpu.memory_space<vmem>>, vector<4x64x128xf32>
    %add3A_48 = arith.addf %reshape3A_43, %get3A_47 : vector<4x64x128xf32>
    %swap3A = arith.constant 0 : index
    %swap3A_49 = arith.constant 0 : index
    %swap3A_50 = arith.constant 0 : index
    %swap3A_51 = vector.load %arg9[%swap3A, %swap3A_49, %swap3A_50] : memref<4x64x128xf32, #tpu.memory_space<vmem>>, vector<4x64x128xf32>
    tpu.vector_store %arg9[%swap3A, %swap3A_49, %swap3A_50], %add3A_48 {strides = array<i32>} : memref<4x64x128xf32, #tpu.memory_space<vmem>>, vector<4x64x128xf32>,
    return
  }
  func.func @transform_0(%arg0: i32) -> (i32, i32, i32) {
    %c0_i32 = arith.constant 0 : i32
    %c0_i32_0 = arith.constant 0 : i32
    %c0_i32_1 = arith.constant 0 : i32
    return %arg0, %c0_i32, %c0_i32_0 : i32, i32, i32
  }
  func.func @transform_1(%arg0: i32) -> (i32, i32, i32) {
    %add3A = arith.constant 18 : i32
    %add3A_0 = arith.addi %add3A, %arg0 : i32
    %c0_i32 = arith.constant 0 : i32
    %c0_i32_1 = arith.constant 0 : i32
    %c0_i32_2 = arith.constant 0 : i32
    return %add3A_0, %c0_i32, %c0_i32_1 : i32, i32, i32
  }
  func.func @transform_2(%arg0: i32) -> (i32, i32) {
    %c0_i32 = arith.constant 0 : i32
    %c0_i32_0 = arith.constant 0 : i32
    %c0_i32_1 = arith.constant 0 : i32
    return %c0_i32, %c0_i32_0 : i32, i32
  }
  func.func @transform_3(%arg0: i32) -> (i32, i32) {
    %c0_i32 = arith.constant 0 : i32
    %c0_i32_0 = arith.constant 0 : i32
    %c0_i32_1 = arith.constant 0 : i32
    return %c0_i32, %c0_i32_0 : i32, i32
  }
  func.func @transform_4(%arg0: i32) -> (i32, i32) {
    %c0_i32 = arith.constant 0 : i32
    %c0_i32_0 = arith.constant 0 : i32
    %c0_i32_1 = arith.constant 0 : i32
    return %c0_i32, %c0_i32_0 : i32, i32
  }
  func.func @transform_5(%arg0: i32) -> (i32, i32) {
    %c0_i32 = arith.constant 0 : i32
    %c0_i32_0 = arith.constant 0 : i32
    %c0_i32_1 = arith.constant 0 : i32
    return %c0_i32, %c0_i32_0 : i32, i32
  }
  func.func @transform_6(%arg0: i32) -> (i32, i32, i32) {
    %add3A = arith.constant 18 : i32
    %add3A_0 = arith.addi %add3A, %arg0 : i32
    %c0_i32 = arith.constant 0 : i32
    %c0_i32_1 = arith.constant 0 : i32
    %c0_i32_2 = arith.constant 0 : i32
    return %c0_i32, %c0_i32_1, %add3A_0 : i32, i32, i32
  }
  func.func @transform_7(%arg0: i32) -> (i32, i32, i32) {
    %add3A = arith.constant 18 : i32
    %add3A_0 = arith.addi %add3A, %arg0 : i32
    %c0_i32 = arith.constant 0 : i32
    %c0_i32_1 = arith.constant 0 : i32
    %c0_i32_2 = arith.constant 0 : i32
    return %c0_i32, %c0_i32_1, %add3A_0 : i32, i32, i32
  }
  func.func @transform_8(%arg0: i32) -> (i32, i32, i32) {
    %add3A = arith.constant 18 : i32
    %add3A_0 = arith.addi %add3A, %arg0 : i32
    %c0_i32 = arith.constant 0 : i32
    %c0_i32_1 = arith.constant 0 : i32
    %c0_i32_2 = arith.constant 0 : i32
    return %c0_i32, %c0_i32_1, %add3A_0 : i32, i32, i32
  }
}

</mosaic_0001>

<sc_bundles>
// kernel: kernel.10.cloned.1.call-start
scs
__scs_entry_jumppad:
0x0: {  	(pc) =	sbr.rel $0x88, $3  }
0x1: {  	(tag) =	ssettag $0x0;
	lr =	simm.s32 $0x1  }
0x2: {  	[smem:$0x3F96] =	sst lr;
	_ =	strace $0xD0000000  }
0x3: {  	_ = 	snop  }
0x4: {  	_ = 	snop  }
0x5: {  	_ = 	snop  }
0x6: {  	_ = 	snop  }
0x7: {  	_ = 	snop  }
__scs_overlays_trampoline_lowered:
0x8: {  	[smem:$0x3FA5] =	sst s0  }
0x9: {  	[smem:$0x3FA6] =	sst s1  }
0xa: {  	[smem:$0x3FA7] =	sst s2  }
0xb: {  	[smem:$0x3FA8] =	sst s3  }
0xc: {  	[smem:$0x3FA9] =	sst s4  }
0xd: {  	[smem:$0x3FAA] =	sst s5  }
0xe: {  	[smem:$0x3FAB] =	sst s6  }
0xf: {  	[smem:$0x3FAC] =	sst s7  }
0x10: {  	[smem:$0x3FAD] =	sst s8  }
0x11: {  	[smem:$0x3FAE] =	sst s9;
	s0 =	simm.s32 @!p0 $0x0  }
0x12: {  	s1 =	sld [smem:$0x3F94];
	s0 =	simm.s32 @p0 $0x1  }
0x13: {  	[smem:$0x3FAF] =	sst s0;
	s0 =	simm.s32 @!p1 $0x0  }
0x14: {  	s2 =	sld [smem:$0x3F93];
	s0 =	simm.s32 @p1 $0x1  }
0x15: {  	[smem:$0x3FB0] =	sst s0;
	s0 =	simm.s32 @!p2 $0x0  }
0x16: {  	s3 =	sld [smem:$0x3FDB];
	s0 =	simm.s32 @p2 $0x1  }
0x17: {  	s4 =	simm.s32 $0x1BF5;
	[smem:$0x3FB2] =	sst s0  }
0x18: {  	s0 =	sld [smem:$0x3F95];
	_ =	swait.ge [sflag:s4], $0x0  }
0x19: {  	s7 =	sld [smem:$0x3F96]  }
0x1a: {  	s8 =	sadd.s32 $0xFFFFE003, lr  }
0x1b: {  	s9 =	sadd.s32 $0xFFFFFEF7, lr;
	s5 =	simm.s32 $0xFFFFFFFF;
	p2 =	slt.u32 s8, $0xFFFFF086  }
0x1c: {  	p1 =	slt.u32 s9, $0xF7A;
	s5 =	simm.s32 @!p2 $0x0  }
0x1d: {  	s5 =	simm.s32 @p1 $0x1;
	p0 =	seq.s32 s7, s2  }
0x1e: {  	s7 =	smul.u32 @!p0 $0xF7A, s2;
	p2 =	seq.s32 @!p0 s5, $0x0  }
0x1f: {  	s9 =	smul.u32 $0xF7A, s1;
	s8 =	simm.s32 @!p0 $0x1BF5;
	p2 =	por !p2, p0  }
0x20: {  	[sflag:s8] =	ssyncset.s32 @!p0 $0xFFFFF086;
	s6 =	sadd.s32 @!p0 s3, s7;
	s7 =	simm.s32 @!p0 $0x108  }
0x21: {  	s3 =	sadd.s32 s3, s9;
	s6 =	sadd.s32 @!p0 $0x88, s6;
	s7 =	simm.s32 @p2 $0x1082  }
0x22: {  	[simem:s7], [sflag:s8] =	dma.local @!p0 [hbm:s6], $0xF7A  }
0x23: {  	s9 =	sor.u32 $0xD0000000, s2;
	s6 =	simm.s32 $0x108;
	_ =	swait.ge @!p0 [sflag:s8], $0x0  }
0x24: {  	s3 =	sadd.s32 $0x88, s3;
	s6 =	simm.s32 @!p1 $0x1082;
	[sflag:s4] =	ssyncset.s32 $0xFFFFF086  }
0x25: {  	[simem:s6], [sflag:s4] =	dma.local [hbm:s3], $0xF7A  }
0x26: {  	[smem:$0x3F96] =	sst s1;
	(tag) =	ssettag s2;
	_ =	strace s9  }
0x27: {  	s1 =	sld [smem:$0x3FA6]  }
0x28: {  	s2 =	sld [smem:$0x3FA7]  }
0x29: {  	s4 =	sld [smem:$0x3FA9]  }
0x2a: {  	p0 =	seq.s32 s5, $0x0;
	s5 =	sld [smem:$0x3FAA]  }
0x2b: {  	s6 =	sld [smem:$0x3FAB]  }
0x2c: {  	s7 =	sld [smem:$0x3FAC]  }
0x2d: {  	s3 =	simm.s32 $0x108;
	s8 =	sld [smem:$0x3FAD]  }
0x2e: {  	s3 =	simm.s32 @!p0 $0x1082;
	s9 =	sld [smem:$0x3FAE]  }
0x2f: {  	lr =	sadd.s32 s0, s3;
	s0 =	sld [smem:$0x3FA5]  }
0x30: {  	s3 =	sld [smem:$0x3FA8]  }
0x31: {  	[smem:$0x3FB1] =	sst s10  }
0x32: {  	s10 =	sld [smem:$0x3FAF];
	_ =	sdelay $0x3  }
0x33: {  	p0 =	seq.s32 s10, $0x1;
	s10 =	sld [smem:$0x3FB1];
	_ =	sdelay $0x3  }
0x34: {  	[smem:$0x3FB1] =	sst s10  }
0x35: {  	s10 =	sld [smem:$0x3FB0];
	_ =	sdelay $0x3  }
0x36: {  	p1 =	seq.s32 s10, $0x1;
	s10 =	sld [smem:$0x3FB1];
	_ =	sdelay $0x3  }
0x37: {  	[smem:$0x3FB1] =	sst s10  }
0x38: {  	s10 =	sld [smem:$0x3FB2]  }
0x39: {  	_ = 	snop;
	(pc) =	sbr.ind lr, $3  }
0x3a: {  	_ = 	snop  }
0x3b: {  	_ = 	snop  }
0x3c: {  	p2 =	seq.s32 s10, $0x1;
	s10 =	sld [smem:$0x3FB1]  }
0x3d: {  	_ =	shalt  }
0x3e: {  	_ =	shalt  }
0x3f: {  	_ =	shalt  }
0x40: {  	_ =	shalt  }
0x41: {  	_ =	shalt  }
0x42: {  	_ =	shalt  }
0x43: {  	_ =	shalt  }
0x44: {  	_ =	shalt  }
0x45: {  	_ =	shalt  }
0x46: {  	_ =	shalt  }
0x47: {  	_ =	shalt  }
0x48: {  	_ =	shalt  }
0x49: {  	_ =	shalt  }
0x4a: {  	_ =	shalt  }
0x4b: {  	_ =	shalt  }
0x4c: {  	_ =	shalt  }
0x4d: {  	_ =	shalt  }
0x4e: {  	_ =	shalt  }
0x4f: {  	_ =	shalt  }
0x50: {  	_ =	shalt  }
0x51: {  	_ =	shalt  }
0x52: {  	_ =	shalt  }
0x53: {  	_ =	shalt  }
0x54: {  	_ =	shalt  }
0x55: {  	_ =	shalt  }
0x56: {  	_ =	shalt  }
0x57: {  	_ =	shalt  }
0x58: {  	_ =	shalt  }
0x59: {  	_ =	shalt  }
0x5a: {  	_ =	shalt  }
0x5b: {  	_ =	shalt  }
0x5c: {  	_ =	shalt  }
0x5d: {  	_ =	shalt  }
0x5e: {  	_ =	shalt  }
0x5f: {  	_ =	shalt  }
0x60: {  	_ =	shalt  }
0x61: {  	_ =	shalt  }
0x62: {  	_ =	shalt  }
0x63: {  	_ =	shalt  }
0x64: {  	_ =	shalt  }
0x65: {  	_ =	shalt  }
0x66: {  	_ =	shalt  }
0x67: {  	_ =	shalt  }
0x68: {  	_ =	shalt  }
0x69: {  	_ =	shalt  }
0x6a: {  	_ =	shalt  }
0x6b: {  	_ =	shalt  }
0x6c: {  	_ =	shalt  }
0x6d: {  	_ =	shalt  }
0x6e: {  	_ =	shalt  }
0x6f: {  	_ =	shalt  }
0x70: {  	_ =	shalt  }
0x71: {  	_ =	shalt  }
0x72: {  	_ =	shalt  }
0x73: {  	_ =	shalt  }
0x74: {  	_ =	shalt  }
0x75: {  	_ =	shalt  }
0x76: {  	_ =	shalt  }
0x77: {  	_ =	shalt  }
0x78: {  	_ =	shalt  }
0x79: {  	_ =	shalt  }
0x7a: {  	_ =	shalt  }
0x7b: {  	_ =	shalt  }
0x7c: {  	_ =	shalt  }
0x7d: {  	_ =	shalt  }
0x7e: {  	_ =	shalt  }
0x7f: {  	_ =	shalt  }
0x80: {  	_ =	shalt  }
0x81: {  	_ =	shalt  }
0x82: {  	_ =	shalt  }
0x83: {  	_ =	shalt  }
0x84: {  	_ =	shalt  }
0x85: {  	_ =	shalt  }
0x86: {  	_ =	shalt  }
0x87: {  	_ =	shalt  }
.Lfunc_end0:
.L_simem_size_0:
called_computation.1_lowered:
.L_overlay_start_0:
0x88: {  	s2 =	sld [smem:$0x3FD9]  }
0x89: {  	s3 =	sld [smem:$0x3FFE];
	_ =	sdelay $0x1  }
0x8a: {  	s1 =	srdreg.scid  }
0x8b: {  	s0 =	sand.u32 $0x1, s1  }
0x8c: {  	s17 =	sshll.u32 s0, $0xA;
	s2 =	sadd.s32 s3, s2  }
0x8d: {  	s2 =	sadd.s32 s2, s17  }
0x8e: {  	[smem:$0x3FBD] =	sst s2  }
0x8f: {  	_ = 	snop  }
0x90: {  	(tm) =	ssettm $0x1  }
0x91: {  	s18 =	sld [smem:$0x3FFB];
	_ =	sdelay $0x3  }
0x92: {  	_ =	strace s18  }
0x93: {  	s2 =	sld [smem:$0x3FFC];
	_ =	sdelay $0x3  }
0x94: {  	_ =	strace s2  }
0x95: {  	s2 =	sld [smem:$0x3FFD];
	_ =	sdelay $0x3  }
0x96: {  	_ =	strace s2  }
0x97: {  	_ =	strace $0x8FFFFFFF  }
0x98: {  	s19 =	sld [smem:$0x3FDB];
	_ =	sdelay $0x1  }
0x99: {  	s20 =	simm.s32 $_scs_section_size  }
0x9a: {  	s4 =	simm.s32 $_size__tile_overlayer_lowered;
	s5 =	simm.s32 $_tile_overlayer_lowered  }
0x9b: {  	s6 =	simm.s32 $0x1BFF;
	s21 =	sshll.u32 s5, $0x1;
	s3 =	sadd.s32 s20, s19  }
0x9c: {  	s22 =	simm.s32 $0x0;
	s4 =	sshll.u32 s4, $0x1;
	s5 =	sadd.s32 s21, s3  }
0x9d: {  	[timem:s22], [sflag:s6] =	dma.local [hbm:s5], s4  }
0x9e: {  	_ =	swait.ge [sflag:s6], s4  }
0x9f: {  	s4 =	ssub.s32 $0x0, s4;
	[sflag:s6] =	ssyncset.done $0x0  }
0xa0: {  	[sflag:s6] =	ssyncadd.s32 s4;
	_ =	sdelay $0x1  }
0xa1: {  	s23 =	simm.s32 $0x1B8B  }
0xa2: {  	_ =	swait.ge [sflag:s23], $0x1  }
0xa3: {  	[sflag:s23] =	ssyncset.done $0x0  }
0xa4: {  	[sflag:s23] =	ssyncadd.s32 $0xFFFFFFFF  }
0xa5: {  	s4 =	sld [smem:$0x0]  }
0xa6: {  	s5 =	sand.u32 $0xFFFFFFFE, s1  }
0xa7: {  	p0 =	sne.s32 s1, s5  }
0xa8: {  	s5 =	sshll.u32 @p0 s5, $0xE  }
0xa9: {  	s5 =	sadd.s32 @p0 $0x11B8D, s5;
	s6 =	sshll.u32 @p0 s4, $0x11  }
0xaa: {  	s5 =	sor.u32 @p0 s6, s5  }
0xab: {  	[sflag:s5] =	ssyncadd.remote.s32 @p0 $0x1;
	_ =	sdelay $0x1  }
0xac: {  	s5 =	simm.s32 @p0 $0x1B8D  }
0xad: {  	_ =	swait.eq @p0 [sflag:s5], $0x1  }
0xae: {  	[sflag:s5] =	ssyncadd.s32 @p0 $0xFFFFFFFF  }
0xaf: {  	s6 =	sshll.u32 @!p0 s1, $0xE  }
0xb0: {  	s6 =	sor.u32 @!p0 $0x4000, s6;
	s5 =	simm.s32 @!p0 $0x1B8D  }
0xb1: {  	s4 =	sshll.u32 @!p0 s4, $0x11;
	s6 =	sadd.s32 @!p0 $0x11B8D, s6;
	_ =	swait.eq @!p0 [sflag:s5], $0x1  }
0xb2: {  	s4 =	sor.u32 @!p0 s4, s6;
	[sflag:s5] =	ssyncadd.s32 @!p0 $0xFFFFFFFF  }
0xb3: {  	s25 =	simm.s32 $0x1B8E;
	s24 =	sld [smem:$0x3FFE];
	[sflag:s4] =	ssyncadd.remote.s32 @!p0 $0x1  }
0xb4: {  	s26 =	simm.s32 $execute0_lowered;
	[smem:$0x3FD2] =	sst s25  }
0xb5: {  	s5 =	sshll.u32 s26, $0x1;
	_ =	strace $0x80000049;
	[dreg:$0x1] =	wrdreg $0xFFFFFFFF  }
0xb6: {  	s28 =	simm.s32 $_size_execute0_lowered;
	s3 =	sadd.s32 s3, s5;
	[dreg:$0x0] =	wrdreg $0x0  }
0xb7: {  	s5 =	sshll.u32 s28, $0x1;
	[dreg:$0x2] =	wrdreg s3  }
0xb8: {  	[dreg:$0x3] =	wrdreg s5  }
0xb9: {  	[dreg:$0x4] =	wrdreg $0xC0  }
0xba: {  	_ =	task [dreg:s22], $0x5FFFF  }
0xbb: {  	[dreg:$0x1] =	wrdreg $0xFFFFFFFF  }
0xbc: {  	[dreg:$0x0] =	wrdreg $0x60  }
0xbd: {  	[dreg:$0x2] =	wrdreg s24  }
0xbe: {  	[dreg:$0x3] =	wrdreg $0xA  }
0xbf: {  	_ =	task.clear_ibuf [dreg:s22], $0x4FFFF;
	_ =	strace $0x90000049  }
0xc0: {  	s29 =	simm.s32 $0xA;
	_ =	strace $0x8000004B  }
0xc1: {  	_ =	swait.ge [sflag:s29], $0x1  }
0xc2: {  	[sflag:s29] =	ssyncadd.s32 $0xFFFFFFFF  }
0xc3: {  	_ =	strace $0x9000004B  }
0xc4: {  	_ =	sfence  }
0xc5: {  	s30 =	sld [smem:$0x0];
	_ =	sdelay $0x2  }
0xc6: {  	s31 =	sshll.u32 s1, $0xD;
	s1 =	sshrl.u32 s1, $0x2  }
0xc7: {  	s4 =	sand.u32 $0x4000, s31;
	s1 =	sadd.s32 s1, s30  }
0xc8: {  	s0 =	sor.u32 s4, s0;
	s1 =	sshll.u32 s1, $0x11  }
0xc9: {  	s0 =	sor.u32 s1, s0  }
0xca: {  	s0 =	sadd.s32 $0x8F2B, s0  }
0xcb: {  	[sflag:s0] =	ssyncadd.remote.s32 $0x1  }
0xcc: {  	_ =	sfence.sel $0xFFFF  }
0xcd: {  	[dreg:$0x0] =	wrdreg $0xFFFFFFFF;
	(pc) =	sbr.abs _section_cstart, $3  }
0xce: {  	[dreg:$0x1] =	wrdreg $0xFFFFFFFF  }
0xcf: {  	_ =	task.clear_ibuf [dreg:s22], $0x2FFFF;
	_ =	strace $0x9FFFFFFF  }
0xd0: {  	(tm) =	ssettm $0x7FFFFFFF  }
0xd1: {  	_ =	shalt  }
tec
execute0_lowered:
.L_overlay_start_1:
0x0: {  	(tag) =	ssettag $0x1  }
0x1: {  	s1 =	srdreg.scid;
	s0 =	stileid.u32  }
0x2: {  	s1 =	sand.u32 $0x1, s1;
	s2 =	sshll.u32 s0, $0x1  }
0x3: {  	s3 =	sor.u32 s1, s2  }
0x4: {  	s4 =	smul.u32 $0x38000, s3  }
0x5: {  	s5 =	rddreg [dreg:$0x0];
	s6 =	sshll.u32 s3, $0x8;
	s3 =	smul.u32 $0x7000, s3  }
0x6: {  	s7 =	sadd.s32 $0x134000, s5;
	s2 =	simm.s32 $0x0;
	s6 =	sadd.s32 s6, s5  }
0x7: {  	[smem:$0x7FF] =	sst s2;
	s6 =	sadd.s32 $0x132000, s6;
	s31 =	sadd.s32 s7, s3  }
0x8: {  	_ =	strace $0x8000004A;
	[dreg:$0x2] =	wrdreg s6;
	s22 =	sadd.s32 $0x800, s31  }
0x9: {  	s24 =	sadd.s32 $0x1800, s31;
	[dreg:$0x3] =	wrdreg s22  }
0xa: {  	s4 =	sshrl.u32 s4, $0x3;
	[dreg:$0x5] =	wrdreg s24  }
0xb: {  	s3 =	sadd.s32 s7, s4;
	s26 =	sadd.s32 $0x2800, s31;
	s6 =	rddreg [dreg:$0x2]  }
0xc: {  	s23 =	sadd.s32 $0x1000, s3;
	[dreg:$0x7] =	wrdreg s26  }
0xd: {  	s25 =	sadd.s32 $0x2000, s3;
	[dreg:$0x4] =	wrdreg s23  }
0xe: {  	s4 =	simm.s32 $0x3;
	[dreg:$0x6] =	wrdreg s25  }
0xf: {  	[tilespmem:s2], [sflag:$0x3] =	stream.linear.gather [hbm4b:s6+s2], $0x700, $0x38;
	[tilespmem:$0x8800] =	vst v63  }
0x10: {  	_ =	swait.ge [sflag:s4], $0x700  }
0x11: {  	s5 =	sadd.s32 $0x2000, s5;
	[sflag:s4] =	ssyncset.done $0x0  }
0x12: {  	s7 =	simm.s32 $0x800;
	s6 =	simm.s32 $0x80;
	[sflag:s4] =	ssyncadd.s32 $0xFFFFF900  }
0x13: {  	[tilespmem:s7], [sflag:$0x1] =	stream.indirect.gather [hbm4b:s5+s6], $0x80, s2, s6, $0xb8;
	[tilespmem:$0x8800] =	vst v63  }
0x14: {  	s8 =	simm.s32 $0x4800;
	s9 =	simm.s32 $0x1  }
0x15: {  	[tilespmem:s8], [sflag:$0x2] =	stream.indirect.gather [hbm4b:s5+s6], $0x80, s6, s6, $0xb8;
	[tilespmem:$0x8800] =	vst v63  }
0x16: {  	_ =	swait.ge [sflag:s9], $0x4000  }
0x17: {  	[sflag:s9] =	ssyncset.done $0x0  }
0x18: {  	[sflag:s9] =	ssyncadd.s32 $0xFFFFC000  }
0x19: {  	[hbm4b:s3+s2] =	stream.linear.scatter [tilespmem:s7], [sflag:$0x3], $0x4000, $0x38;
	[tilespmem:$0x8800] =	vst v63  }
0x1a: {  	_ =	swait.ge [sflag:s4], $0x4000  }
0x1b: {  	[sflag:s4] =	ssyncset.done $0x0  }
0x1c: {  	s10 =	simm.s32 $0x100;
	s11 =	simm.s32 $0x2;
	[sflag:s4] =	ssyncadd.s32 $0xFFFFC000  }
0x1d: {  	[tilespmem:s7], [sflag:$0x1] =	stream.indirect.gather [hbm4b:s5+s6], $0x80, s10, s6, $0xb8;
	[tilespmem:$0x8800] =	vst v63  }
0x1e: {  	_ =	swait.ge [sflag:s11], $0x4000  }
0x1f: {  	[sflag:s11] =	ssyncset.done $0x0  }
0x20: {  	s12 =	rddreg [dreg:$0x3];
	[sflag:s11] =	ssyncadd.s32 $0xFFFFC000  }
0x21: {  	[hbm4b:s12+s2] =	stream.linear.scatter [tilespmem:s8], [sflag:$0x3], $0x4000, $0x38;
	[tilespmem:$0x8800] =	vst v63  }
0x22: {  	_ =	swait.ge [sflag:s4], $0x4000  }
0x23: {  	[sflag:s4] =	ssyncset.done $0x0  }
0x24: {  	s12 =	simm.s32 $0x180;
	[sflag:s4] =	ssyncadd.s32 $0xFFFFC000  }
0x25: {  	[tilespmem:s8], [sflag:$0x2] =	stream.indirect.gather [hbm4b:s5+s6], $0x80, s12, s6, $0xb8;
	[tilespmem:$0x8800] =	vst v63  }
0x26: {  	_ =	swait.ge [sflag:s9], $0x4000  }
0x27: {  	[sflag:s9] =	ssyncset.done $0x0  }
0x28: {  	s13 =	rddreg [dreg:$0x4];
	[sflag:s9] =	ssyncadd.s32 $0xFFFFC000  }
0x29: {  	[hbm4b:s13+s2] =	stream.linear.scatter [tilespmem:s7], [sflag:$0x3], $0x4000, $0x38;
	[tilespmem:$0x8800] =	vst v63  }
0x2a: {  	_ =	swait.ge [sflag:s4], $0x4000  }
0x2b: {  	[sflag:s4] =	ssyncset.done $0x0  }
0x2c: {  	s13 =	simm.s32 $0x200;
	[sflag:s4] =	ssyncadd.s32 $0xFFFFC000  }
0x2d: {  	[tilespmem:s7], [sflag:$0x1] =	stream.indirect.gather [hbm4b:s5+s6], $0x80, s13, s6, $0xb8;
	[tilespmem:$0x8800] =	vst v63  }
0x2e: {  	_ =	swait.ge [sflag:s11], $0x4000  }
0x2f: {  	[sflag:s11] =	ssyncset.done $0x0  }
0x30: {  	s14 =	rddreg [dreg:$0x5];
	[sflag:s11] =	ssyncadd.s32 $0xFFFFC000  }
0x31: {  	[hbm4b:s14+s2] =	stream.linear.scatter [tilespmem:s8], [sflag:$0x3], $0x4000, $0x38;
	[tilespmem:$0x8800] =	vst v63  }
0x32: {  	_ =	swait.ge [sflag:s4], $0x4000  }
0x33: {  	[sflag:s4] =	ssyncset.done $0x0  }
0x34: {  	s14 =	simm.s32 $0x280;
	[sflag:s4] =	ssyncadd.s32 $0xFFFFC000  }
0x35: {  	[tilespmem:s8], [sflag:$0x2] =	stream.indirect.gather [hbm4b:s5+s6], $0x80, s14, s6, $0xb8;
	[tilespmem:$0x8800] =	vst v63  }
0x36: {  	_ =	swait.ge [sflag:s9], $0x4000  }
0x37: {  	[sflag:s9] =	ssyncset.done $0x0  }
0x38: {  	s15 =	rddreg [dreg:$0x6];
	[sflag:s9] =	ssyncadd.s32 $0xFFFFC000  }
0x39: {  	[hbm4b:s15+s2] =	stream.linear.scatter [tilespmem:s7], [sflag:$0x3], $0x4000, $0x38;
	[tilespmem:$0x8800] =	vst v63  }
0x3a: {  	_ =	swait.ge [sflag:s4], $0x4000  }
0x3b: {  	[sflag:s4] =	ssyncset.done $0x0  }
0x3c: {  	s15 =	simm.s32 $0x300;
	[sflag:s4] =	ssyncadd.s32 $0xFFFFC000  }
0x3d: {  	[tilespmem:s7], [sflag:$0x1] =	stream.indirect.gather [hbm4b:s5+s6], $0x80, s15, s6, $0xb8;
	[tilespmem:$0x8800] =	vst v63  }
0x3e: {  	_ =	swait.ge [sflag:s11], $0x4000  }
0x3f: {  	[sflag:s11] =	ssyncset.done $0x0  }
0x40: {  	s16 =	rddreg [dreg:$0x7];
	[sflag:s11] =	ssyncadd.s32 $0xFFFFC000  }
0x41: {  	[hbm4b:s16+s2] =	stream.linear.scatter [tilespmem:s8], [sflag:$0x3], $0x4000, $0x38;
	[tilespmem:$0x8800] =	vst v63  }
0x42: {  	_ =	swait.ge [sflag:s4], $0x4000  }
0x43: {  	[sflag:s4] =	ssyncset.done $0x0  }
0x44: {  	s16 =	simm.s32 $0x380;
	[sflag:s4] =	ssyncadd.s32 $0xFFFFC000  }
0x45: {  	[tilespmem:s8], [sflag:$0x2] =	stream.indirect.gather [hbm4b:s5+s6], $0x80, s16, s6, $0xb8;
	[tilespmem:$0x8800] =	vst v63  }
0x46: {  	_ =	swait.ge [sflag:s9], $0x4000  }
0x47: {  	[sflag:s9] =	ssyncset.done $0x0  }
0x48: {  	s17 =	sadd.s32 $0x3000, s3;
	[sflag:s9] =	ssyncadd.s32 $0xFFFFC000  }
0x49: {  	[hbm4b:s17+s2] =	stream.linear.scatter [tilespmem:s7], [sflag:$0x3], $0x4000, $0x38;
	[tilespmem:$0x8800] =	vst v63  }
0x4a: {  	_ =	swait.ge [sflag:s4], $0x4000  }
0x4b: {  	[sflag:s4] =	ssyncset.done $0x0  }
0x4c: {  	s18 =	simm.s32 $0x400;
	[sflag:s4] =	ssyncadd.s32 $0xFFFFC000  }
0x4d: {  	[tilespmem:s7], [sflag:$0x1] =	stream.indirect.gather [hbm4b:s5+s6], $0x80, s18, s6, $0xb8;
	[tilespmem:$0x8800] =	vst v63  }
0x4e: {  	_ =	swait.ge [sflag:s11], $0x4000  }
0x4f: {  	[sflag:s11] =	ssyncset.done $0x0  }
0x50: {  	s19 =	sadd.s32 $0x3800, s31;
	[sflag:s11] =	ssyncadd.s32 $0xFFFFC000  }
0x51: {  	[hbm4b:s19+s2] =	stream.linear.scatter [tilespmem:s8], [sflag:$0x3], $0x4000, $0x38;
	[tilespmem:$0x8800] =	vst v63  }
0x52: {  	_ =	swait.ge [sflag:s4], $0x4000  }
0x53: {  	[sflag:s4] =	ssyncset.done $0x0  }
0x54: {  	s20 =	simm.s32 $0x480;
	[sflag:s4] =	ssyncadd.s32 $0xFFFFC000  }
0x55: {  	[tilespmem:s8], [sflag:$0x2] =	stream.indirect.gather [hbm4b:s5+s6], $0x80, s20, s6, $0xb8;
	[tilespmem:$0x8800] =	vst v63  }
0x56: {  	_ =	swait.ge [sflag:s9], $0x4000  }
0x57: {  	[sflag:s9] =	ssyncset.done $0x0  }
0x58: {  	s21 =	sadd.s32 $0x4000, s3;
	[sflag:s9] =	ssyncadd.s32 $0xFFFFC000  }
0x59: {  	[hbm4b:s21+s2] =	stream.linear.scatter [tilespmem:s7], [sflag:$0x3], $0x4000, $0x38;
	[tilespmem:$0x8800] =	vst v63  }
0x5a: {  	_ =	swait.ge [sflag:s4], $0x4000  }
0x5b: {  	[sflag:s4] =	ssyncset.done $0x0  }
0x5c: {  	s22 =	simm.s32 $0x500;
	[sflag:s4] =	ssyncadd.s32 $0xFFFFC000  }
0x5d: {  	[tilespmem:s7], [sflag:$0x1] =	stream.indirect.gather [hbm4b:s5+s6], $0x80, s22, s6, $0xb8;
	[tilespmem:$0x8800] =	vst v63  }
0x5e: {  	_ =	swait.ge [sflag:s11], $0x4000  }
0x5f: {  	[sflag:s11] =	ssyncset.done $0x0  }
0x60: {  	s23 =	sadd.s32 $0x4800, s31;
	[sflag:s11] =	ssyncadd.s32 $0xFFFFC000  }
0x61: {  	[hbm4b:s23+s2] =	stream.linear.scatter [tilespmem:s8], [sflag:$0x3], $0x4000, $0x38;
	[tilespmem:$0x8800] =	vst v63  }
0x62: {  	_ =	swait.ge [sflag:s4], $0x4000  }
0x63: {  	[sflag:s4] =	ssyncset.done $0x0  }
0x64: {  	s24 =	simm.s32 $0x580;
	[sflag:s4] =	ssyncadd.s32 $0xFFFFC000  }
0x65: {  	[tilespmem:s8], [sflag:$0x2] =	stream.indirect.gather [hbm4b:s5+s6], $0x80, s24, s6, $0xb8;
	[tilespmem:$0x8800] =	vst v63  }
0x66: {  	_ =	swait.ge [sflag:s9], $0x4000  }
0x67: {  	[sflag:s9] =	ssyncset.done $0x0  }
0x68: {  	s25 =	sadd.s32 $0x5000, s3;
	[sflag:s9] =	ssyncadd.s32 $0xFFFFC000  }
0x69: {  	[hbm4b:s25+s2] =	stream.linear.scatter [tilespmem:s7], [sflag:$0x3], $0x4000, $0x38;
	[tilespmem:$0x8800] =	vst v63  }
0x6a: {  	_ =	swait.ge [sflag:s4], $0x4000  }
0x6b: {  	[sflag:s4] =	ssyncset.done $0x0  }
0x6c: {  	s26 =	simm.s32 $0x600;
	[sflag:s4] =	ssyncadd.s32 $0xFFFFC000  }
0x6d: {  	[tilespmem:s7], [sflag:$0x1] =	stream.indirect.gather [hbm4b:s5+s6], $0x80, s26, s6, $0xb8;
	[tilespmem:$0x8800] =	vst v63  }
0x6e: {  	_ =	swait.ge [sflag:s11], $0x4000  }
0x6f: {  	[sflag:s11] =	ssyncset.done $0x0  }
0x70: {  	s28 =	sadd.s32 $0x5800, s31;
	[sflag:s11] =	ssyncadd.s32 $0xFFFFC000  }
0x71: {  	[hbm4b:s28+s2] =	stream.linear.scatter [tilespmem:s8], [sflag:$0x3], $0x4000, $0x38;
	[tilespmem:$0x8800] =	vst v63  }
0x72: {  	_ =	swait.ge [sflag:s4], $0x4000  }
0x73: {  	[sflag:s4] =	ssyncset.done $0x0  }
0x74: {  	s29 =	simm.s32 $0x680;
	[sflag:s4] =	ssyncadd.s32 $0xFFFFC000  }
0x75: {  	[tilespmem:s8], [sflag:$0x2] =	stream.indirect.gather [hbm4b:s5+s6], $0x80, s29, s6, $0xb8;
	[tilespmem:$0x8800] =	vst v63  }
0x76: {  	_ =	swait.ge [sflag:s9], $0x4000  }
0x77: {  	s1 =	ssub.s32 $0x2, s1;
	[sflag:s9] =	ssyncset.done $0x0  }
0x78: {  	s0 =	sshrl.u32 s1, $0x1;
	s30 =	sadd.s32 $0x6000, s3;
	[sflag:s9] =	ssyncadd.s32 $0xFFFFC000  }
0x79: {  	[hbm4b:s30+s2] =	stream.linear.scatter [tilespmem:s7], [sflag:$0x3], $0x4000, $0x38;
	[tilespmem:$0x8800] =	vst v63  }
0x7a: {  	s0 =	ssub.s32 s1, s0;
	_ =	swait.ge [sflag:s4], $0x4000  }
0x7b: {  	s0 =	smax.u32 s0, $0x1;
	[sflag:s4] =	ssyncset.done $0x0  }
0x7c: {  	p0 =	sne.s32 s0, $0x1;
	[sflag:s4] =	ssyncadd.s32 $0xFFFFC000  }
.Ltmp0:
0x7d: {  	_ =	swait.ge [sflag:s11], $0x4000;
	(pc) =	sbr.rel @!p0 .LBB2_2-.Ltmp0, $4  }
0x7e: {  	[sflag:s11] =	ssyncset.done $0x0  }
0x7f: {  	s31 =	sadd.s32 $0x6800, s31;
	[sflag:s11] =	ssyncadd.s32 $0xFFFFC000  }
0x80: {  	[hbm4b:s31+s2] =	stream.linear.scatter [tilespmem:s8], [sflag:$0x3], $0x4000, $0x38;
	[tilespmem:$0x8800] =	vst v63  }
0x81: {  	s1 =	sadd.s32 $0xFFFFFFFF, s0;
	_ =	swait.ge [sflag:s4], $0x4000  }
.LBB2_1:
0x82: {  	[sflag:s4] =	ssyncset.done $0x0  }
0x83: {  	s0 =	rddreg [dreg:$0x2];
	[sflag:s4] =	ssyncadd.s32 $0xFFFFC000  }
0x84: {  	[tilespmem:s2], [sflag:$0x3] =	stream.linear.gather [hbm4b:s0+s2], $0x700, $0x38;
	[tilespmem:$0x8800] =	vst v63  }
0x85: {  	_ =	swait.ge [sflag:s4], $0x700  }
0x86: {  	[sflag:s4] =	ssyncset.done $0x0  }
0x87: {  	[sflag:s4] =	ssyncadd.s32 $0xFFFFF900  }
0x88: {  	[tilespmem:s7], [sflag:$0x1] =	stream.indirect.gather [hbm4b:s5+s6], $0x80, s2, s6, $0xb8;
	[tilespmem:$0x8800] =	vst v63  }
0x89: {  	_ = 	snop  }
0x8a: {  	[tilespmem:s8], [sflag:$0x2] =	stream.indirect.gather [hbm4b:s5+s6], $0x80, s6, s6, $0xb8;
	[tilespmem:$0x8800] =	vst v63  }
0x8b: {  	_ =	swait.ge [sflag:s9], $0x4000  }
0x8c: {  	[sflag:s9] =	ssyncset.done $0x0  }
0x8d: {  	[sflag:s9] =	ssyncadd.s32 $0xFFFFC000  }
0x8e: {  	[hbm4b:s3+s2] =	stream.linear.scatter [tilespmem:s7], [sflag:$0x3], $0x4000, $0x38;
	[tilespmem:$0x8800] =	vst v63  }
0x8f: {  	_ =	swait.ge [sflag:s4], $0x4000  }
0x90: {  	[sflag:s4] =	ssyncset.done $0x0  }
0x91: {  	[sflag:s4] =	ssyncadd.s32 $0xFFFFC000  }
0x92: {  	[tilespmem:s7], [sflag:$0x1] =	stream.indirect.gather [hbm4b:s5+s6], $0x80, s10, s6, $0xb8;
	[tilespmem:$0x8800] =	vst v63  }
0x93: {  	_ =	swait.ge [sflag:s11], $0x4000  }
0x94: {  	[sflag:s11] =	ssyncset.done $0x0  }
0x95: {  	s0 =	rddreg [dreg:$0x3];
	[sflag:s11] =	ssyncadd.s32 $0xFFFFC000  }
0x96: {  	[hbm4b:s0+s2] =	stream.linear.scatter [tilespmem:s8], [sflag:$0x3], $0x4000, $0x38;
	[tilespmem:$0x8800] =	vst v63  }
0x97: {  	_ =	swait.ge [sflag:s4], $0x4000  }
0x98: {  	[sflag:s4] =	ssyncset.done $0x0  }
0x99: {  	[sflag:s4] =	ssyncadd.s32 $0xFFFFC000  }
0x9a: {  	[tilespmem:s8], [sflag:$0x2] =	stream.indirect.gather [hbm4b:s5+s6], $0x80, s12, s6, $0xb8;
	[tilespmem:$0x8800] =	vst v63  }
0x9b: {  	_ =	swait.ge [sflag:s9], $0x4000  }
0x9c: {  	[sflag:s9] =	ssyncset.done $0x0  }
0x9d: {  	s0 =	rddreg [dreg:$0x4];
	[sflag:s9] =	ssyncadd.s32 $0xFFFFC000  }
0x9e: {  	[hbm4b:s0+s2] =	stream.linear.scatter [tilespmem:s7], [sflag:$0x3], $0x4000, $0x38;
	[tilespmem:$0x8800] =	vst v63  }
0x9f: {  	_ =	swait.ge [sflag:s4], $0x4000  }
0xa0: {  	[sflag:s4] =	ssyncset.done $0x0  }
0xa1: {  	[sflag:s4] =	ssyncadd.s32 $0xFFFFC000  }
0xa2: {  	[tilespmem:s7], [sflag:$0x1] =	stream.indirect.gather [hbm4b:s5+s6], $0x80, s13, s6, $0xb8;
	[tilespmem:$0x8800] =	vst v63  }
0xa3: {  	_ =	swait.ge [sflag:s11], $0x4000  }
0xa4: {  	[sflag:s11] =	ssyncset.done $0x0  }
0xa5: {  	s0 =	rddreg [dreg:$0x5];
	[sflag:s11] =	ssyncadd.s32 $0xFFFFC000  }
0xa6: {  	[hbm4b:s0+s2] =	stream.linear.scatter [tilespmem:s8], [sflag:$0x3], $0x4000, $0x38;
	[tilespmem:$0x8800] =	vst v63  }
0xa7: {  	_ =	swait.ge [sflag:s4], $0x4000  }
0xa8: {  	[sflag:s4] =	ssyncset.done $0x0  }
0xa9: {  	[sflag:s4] =	ssyncadd.s32 $0xFFFFC000  }
0xaa: {  	[tilespmem:s8], [sflag:$0x2] =	stream.indirect.gather [hbm4b:s5+s6], $0x80, s14, s6, $0xb8;
	[tilespmem:$0x8800] =	vst v63  }
0xab: {  	_ =	swait.ge [sflag:s9], $0x4000  }
0xac: {  	[sflag:s9] =	ssyncset.done $0x0  }
0xad: {  	s0 =	rddreg [dreg:$0x6];
	[sflag:s9] =	ssyncadd.s32 $0xFFFFC000  }
0xae: {  	[hbm4b:s0+s2] =	stream.linear.scatter [tilespmem:s7], [sflag:$0x3], $0x4000, $0x38;
	[tilespmem:$0x8800] =	vst v63  }
0xaf: {  	_ =	swait.ge [sflag:s4], $0x4000  }
0xb0: {  	[sflag:s4] =	ssyncset.done $0x0  }
0xb1: {  	[sflag:s4] =	ssyncadd.s32 $0xFFFFC000  }
0xb2: {  	[tilespmem:s7], [sflag:$0x1] =	stream.indirect.gather [hbm4b:s5+s6], $0x80, s15, s6, $0xb8;
	[tilespmem:$0x8800] =	vst v63  }
0xb3: {  	_ =	swait.ge [sflag:s11], $0x4000  }
0xb4: {  	[sflag:s11] =	ssyncset.done $0x0  }
0xb5: {  	s0 =	rddreg [dreg:$0x7];
	[sflag:s11] =	ssyncadd.s32 $0xFFFFC000  }
0xb6: {  	[hbm4b:s0+s2] =	stream.linear.scatter [tilespmem:s8], [sflag:$0x3], $0x4000, $0x38;
	[tilespmem:$0x8800] =	vst v63  }
0xb7: {  	_ =	swait.ge [sflag:s4], $0x4000  }
0xb8: {  	[sflag:s4] =	ssyncset.done $0x0  }
0xb9: {  	[sflag:s4] =	ssyncadd.s32 $0xFFFFC000  }
0xba: {  	[tilespmem:s8], [sflag:$0x2] =	stream.indirect.gather [hbm4b:s5+s6], $0x80, s16, s6, $0xb8;
	[tilespmem:$0x8800] =	vst v63  }
0xbb: {  	_ =	swait.ge [sflag:s9], $0x4000  }
0xbc: {  	[sflag:s9] =	ssyncset.done $0x0  }
0xbd: {  	[sflag:s9] =	ssyncadd.s32 $0xFFFFC000  }
0xbe: {  	[hbm4b:s17+s2] =	stream.linear.scatter [tilespmem:s7], [sflag:$0x3], $0x4000, $0x38;
	[tilespmem:$0x8800] =	vst v63  }
0xbf: {  	_ =	swait.ge [sflag:s4], $0x4000  }
0xc0: {  	[sflag:s4] =	ssyncset.done $0x0  }
0xc1: {  	[sflag:s4] =	ssyncadd.s32 $0xFFFFC000  }
0xc2: {  	[tilespmem:s7], [sflag:$0x1] =	stream.indirect.gather [hbm4b:s5+s6], $0x80, s18, s6, $0xb8;
	[tilespmem:$0x8800] =	vst v63  }
0xc3: {  	_ =	swait.ge [sflag:s11], $0x4000  }
0xc4: {  	[sflag:s11] =	ssyncset.done $0x0  }
0xc5: {  	[sflag:s11] =	ssyncadd.s32 $0xFFFFC000  }
0xc6: {  	[hbm4b:s19+s2] =	stream.linear.scatter [tilespmem:s8], [sflag:$0x3], $0x4000, $0x38;
	[tilespmem:$0x8800] =	vst v63  }
0xc7: {  	_ =	swait.ge [sflag:s4], $0x4000  }
0xc8: {  	[sflag:s4] =	ssyncset.done $0x0  }
0xc9: {  	[sflag:s4] =	ssyncadd.s32 $0xFFFFC000  }
0xca: {  	[tilespmem:s8], [sflag:$0x2] =	stream.indirect.gather [hbm4b:s5+s6], $0x80, s20, s6, $0xb8;
	[tilespmem:$0x8800] =	vst v63  }
0xcb: {  	_ =	swait.ge [sflag:s9], $0x4000  }
0xcc: {  	[sflag:s9] =	ssyncset.done $0x0  }
0xcd: {  	[sflag:s9] =	ssyncadd.s32 $0xFFFFC000  }
0xce: {  	[hbm4b:s21+s2] =	stream.linear.scatter [tilespmem:s7], [sflag:$0x3], $0x4000, $0x38;
	[tilespmem:$0x8800] =	vst v63  }
0xcf: {  	_ =	swait.ge [sflag:s4], $0x4000  }
0xd0: {  	[sflag:s4] =	ssyncset.done $0x0  }
0xd1: {  	[sflag:s4] =	ssyncadd.s32 $0xFFFFC000  }
0xd2: {  	[tilespmem:s7], [sflag:$0x1] =	stream.indirect.gather [hbm4b:s5+s6], $0x80, s22, s6, $0xb8;
	[tilespmem:$0x8800] =	vst v63  }
0xd3: {  	_ =	swait.ge [sflag:s11], $0x4000  }
0xd4: {  	[sflag:s11] =	ssyncset.done $0x0  }
0xd5: {  	[sflag:s11] =	ssyncadd.s32 $0xFFFFC000  }
0xd6: {  	[hbm4b:s23+s2] =	stream.linear.scatter [tilespmem:s8], [sflag:$0x3], $0x4000, $0x38;
	[tilespmem:$0x8800] =	vst v63  }
0xd7: {  	_ =	swait.ge [sflag:s4], $0x4000  }
0xd8: {  	[sflag:s4] =	ssyncset.done $0x0  }
0xd9: {  	[sflag:s4] =	ssyncadd.s32 $0xFFFFC000  }
0xda: {  	[tilespmem:s8], [sflag:$0x2] =	stream.indirect.gather [hbm4b:s5+s6], $0x80, s24, s6, $0xb8;
	[tilespmem:$0x8800] =	vst v63  }
0xdb: {  	_ =	swait.ge [sflag:s9], $0x4000  }
0xdc: {  	[sflag:s9] =	ssyncset.done $0x0  }
0xdd: {  	[sflag:s9] =	ssyncadd.s32 $0xFFFFC000  }
0xde: {  	[hbm4b:s25+s2] =	stream.linear.scatter [tilespmem:s7], [sflag:$0x3], $0x4000, $0x38;
	[tilespmem:$0x8800] =	vst v63  }
0xdf: {  	_ =	swait.ge [sflag:s4], $0x4000  }
0xe0: {  	[sflag:s4] =	ssyncset.done $0x0  }
0xe1: {  	[sflag:s4] =	ssyncadd.s32 $0xFFFFC000  }
0xe2: {  	[tilespmem:s7], [sflag:$0x1] =	stream.indirect.gather [hbm4b:s5+s6], $0x80, s26, s6, $0xb8;
	[tilespmem:$0x8800] =	vst v63  }
0xe3: {  	_ =	swait.ge [sflag:s11], $0x4000  }
0xe4: {  	[sflag:s11] =	ssyncset.done $0x0  }
0xe5: {  	[sflag:s11] =	ssyncadd.s32 $0xFFFFC000  }
0xe6: {  	[hbm4b:s28+s2] =	stream.linear.scatter [tilespmem:s8], [sflag:$0x3], $0x4000, $0x38;
	[tilespmem:$0x8800] =	vst v63  }
0xe7: {  	_ =	swait.ge [sflag:s4], $0x4000  }
0xe8: {  	[sflag:s4] =	ssyncset.done $0x0  }
0xe9: {  	[sflag:s4] =	ssyncadd.s32 $0xFFFFC000  }
0xea: {  	[tilespmem:s8], [sflag:$0x2] =	stream.indirect.gather [hbm4b:s5+s6], $0x80, s29, s6, $0xb8;
	[tilespmem:$0x8800] =	vst v63  }
0xeb: {  	_ =	swait.ge [sflag:s9], $0x4000  }
0xec: {  	[sflag:s9] =	ssyncset.done $0x0  }
0xed: {  	[sflag:s9] =	ssyncadd.s32 $0xFFFFC000  }
0xee: {  	[hbm4b:s30+s2] =	stream.linear.scatter [tilespmem:s7], [sflag:$0x3], $0x4000, $0x38;
	[tilespmem:$0x8800] =	vst v63  }
0xef: {  	_ =	swait.ge [sflag:s4], $0x4000  }
0xf0: {  	[sflag:s4] =	ssyncset.done $0x0  }
0xf1: {  	p0 =	sne.s32 s1, $0x1;
	[sflag:s4] =	ssyncadd.s32 $0xFFFFC000  }
.Ltmp1:
0xf2: {  	_ =	swait.ge [sflag:s11], $0x4000;
	(pc) =	sbr.rel @p0 .LBB2_1-.Ltmp1, $4  }
0xf3: {  	[sflag:s11] =	ssyncset.done $0x0  }
0xf4: {  	[sflag:s11] =	ssyncadd.s32 $0xFFFFC000  }
0xf5: {  	[hbm4b:s31+s2] =	stream.linear.scatter [tilespmem:s8], [sflag:$0x3], $0x4000, $0x38;
	[tilespmem:$0x8800] =	vst v63  }
0xf6: {  	s1 =	sadd.s32 $0xFFFFFFFF, s1;
	_ =	swait.ge [sflag:s4], $0x4000  }
.LBB2_2:
0xf7: {  	[sflag:s4] =	ssyncset.done $0x0  }
0xf8: {  	[sflag:s4] =	ssyncadd.s32 $0xFFFFC000  }
0xf9: {  	_ =	sfence.sel $0x180000  }
0xfa: {  	[bflag:$0x0] =	sbarrier.arrive $0xFFFF  }
0xfb: {  	_ =	strace $0x9000004A  }
0xfc: {  	s0 =	stileid.u32;
	[bflag:$0x2] =	sbarrier.arrive $0xFFFF  }
0xfd: {  	p0 =	sne.s32 s0, $0x0;
	s0 =	rddreg [dreg:$0x1]  }
0xfe: {  	s0 =	sadd.s32 @!p0 $0x100000, s0  }
0xff: {  	[sflag:s0] =	ssyncadd.tile.s32 @!p0 $0x1;
	_ =	shalt  }
.Lfunc_end2:
_tile_overlayer_lowered:
.L_overlay_start_2:
0x100: {  	(tag) =	ssettag $0x2  }
0x101: {  	s0 =	rddreg [dreg:$0x0];
	s2 =	stileid.u32  }
0x102: {  	s1 =	rddreg [dreg:$0x1];
	p0 =	sne.s32 s2, $0x0  }
0x103: {  	s3 =	rddreg [dreg:$0x2];
	[bflag:$0x3] =	sbarrier.arrive $0xFFFF;
	s2 =	simm.s32 @!p0 $0x1C03  }
0x104: {  	[timem:s3], [sflag:s2] =	dma.local @!p0 [hbm:s0], s1  }
0x105: {  	s0 =	simm.s32 @!p0 $0x3  }
0x106: {  	_ =	swait.ge @!p0 [sflag:s0], s1  }
0x107: {  	s1 =	ssub.s32 @!p0 $0x0, s1;
	[sflag:s0] =	ssyncset.done @!p0 $0x0  }
0x108: {  	[sflag:s0] =	ssyncadd.s32 @!p0 s1  }
0x109: {  	[bflag:$0x3] =	sbarrier.arrive $0xFFFF  }
0x10a: {  	_ =	shalt  }

// kernel: kernel.7.cloned.1.call-start
scs
__scs_entry_jumppad:
0x0: {  	(pc) =	sbr.rel $0x88, $3  }
0x1: {  	(tag) =	ssettag $0x0;
	lr =	simm.s32 $0x1  }
0x2: {  	[smem:$0x3F96] =	sst lr;
	_ =	strace $0xD0000000  }
0x3: {  	_ = 	snop  }
0x4: {  	_ = 	snop  }
0x5: {  	_ = 	snop  }
0x6: {  	_ = 	snop  }
0x7: {  	_ = 	snop  }
__scs_overlays_trampoline_lowered:
0x8: {  	[smem:$0x3FA5] =	sst s0  }
0x9: {  	[smem:$0x3FA6] =	sst s1  }
0xa: {  	[smem:$0x3FA7] =	sst s2  }
0xb: {  	[smem:$0x3FA8] =	sst s3  }
0xc: {  	[smem:$0x3FA9] =	sst s4  }
0xd: {  	[smem:$0x3FAA] =	sst s5  }
0xe: {  	[smem:$0x3FAB] =	sst s6  }
0xf: {  	[smem:$0x3FAC] =	sst s7  }
0x10: {  	[smem:$0x3FAD] =	sst s8  }
0x11: {  	[smem:$0x3FAE] =	sst s9;
	s0 =	simm.s32 @!p0 $0x0  }
0x12: {  	s1 =	sld [smem:$0x3F94];
	s0 =	simm.s32 @p0 $0x1  }
0x13: {  	[smem:$0x3FAF] =	sst s0;
	s0 =	simm.s32 @!p1 $0x0  }
0x14: {  	s2 =	sld [smem:$0x3F93];
	s0 =	simm.s32 @p1 $0x1  }
0x15: {  	[smem:$0x3FB0] =	sst s0;
	s0 =	simm.s32 @!p2 $0x0  }
0x16: {  	s3 =	sld [smem:$0x3FDB];
	s0 =	simm.s32 @p2 $0x1  }
0x17: {  	s4 =	simm.s32 $0x1BF5;
	[smem:$0x3FB2] =	sst s0  }
0x18: {  	s0 =	sld [smem:$0x3F95];
	_ =	swait.ge [sflag:s4], $0x0  }
0x19: {  	s7 =	sld [smem:$0x3F96]  }
0x1a: {  	s8 =	sadd.s32 $0xFFFFE003, lr  }
0x1b: {  	s9 =	sadd.s32 $0xFFFFFEF7, lr;
	s5 =	simm.s32 $0xFFFFFFFF;
	p2 =	slt.u32 s8, $0xFFFFF086  }
0x1c: {  	p1 =	slt.u32 s9, $0xF7A;
	s5 =	simm.s32 @!p2 $0x0  }
0x1d: {  	s5 =	simm.s32 @p1 $0x1;
	p0 =	seq.s32 s7, s2  }
0x1e: {  	s7 =	smul.u32 @!p0 $0xF7A, s2;
	p2 =	seq.s32 @!p0 s5, $0x0  }
0x1f: {  	s9 =	smul.u32 $0xF7A, s1;
	s8 =	simm.s32 @!p0 $0x1BF5;
	p2 =	por !p2, p0  }
0x20: {  	[sflag:s8] =	ssyncset.s32 @!p0 $0xFFFFF086;
	s6 =	sadd.s32 @!p0 s3, s7;
	s7 =	simm.s32 @!p0 $0x108  }
0x21: {  	s3 =	sadd.s32 s3, s9;
	s6 =	sadd.s32 @!p0 $0x88, s6;
	s7 =	simm.s32 @p2 $0x1082  }
0x22: {  	[simem:s7], [sflag:s8] =	dma.local @!p0 [hbm:s6], $0xF7A  }
0x23: {  	s9 =	sor.u32 $0xD0000000, s2;
	s6 =	simm.s32 $0x108;
	_ =	swait.ge @!p0 [sflag:s8], $0x0  }
0x24: {  	s3 =	sadd.s32 $0x88, s3;
	s6 =	simm.s32 @!p1 $0x1082;
	[sflag:s4] =	ssyncset.s32 $0xFFFFF086  }
0x25: {  	[simem:s6], [sflag:s4] =	dma.local [hbm:s3], $0xF7A  }
0x26: {  	[smem:$0x3F96] =	sst s1;
	(tag) =	ssettag s2;
	_ =	strace s9  }
0x27: {  	s1 =	sld [smem:$0x3FA6]  }
0x28: {  	s2 =	sld [smem:$0x3FA7]  }
0x29: {  	s4 =	sld [smem:$0x3FA9]  }
0x2a: {  	p0 =	seq.s32 s5, $0x0;
	s5 =	sld [smem:$0x3FAA]  }
0x2b: {  	s6 =	sld [smem:$0x3FAB]  }
0x2c: {  	s7 =	sld [smem:$0x3FAC]  }
0x2d: {  	s3 =	simm.s32 $0x108;
	s8 =	sld [smem:$0x3FAD]  }
0x2e: {  	s3 =	simm.s32 @!p0 $0x1082;
	s9 =	sld [smem:$0x3FAE]  }
0x2f: {  	lr =	sadd.s32 s0, s3;
	s0 =	sld [smem:$0x3FA5]  }
0x30: {  	s3 =	sld [smem:$0x3FA8]  }
0x31: {  	[smem:$0x3FB1] =	sst s10  }
0x32: {  	s10 =	sld [smem:$0x3FAF];
	_ =	sdelay $0x3  }
0x33: {  	p0 =	seq.s32 s10, $0x1;
	s10 =	sld [smem:$0x3FB1];
	_ =	sdelay $0x3  }
0x34: {  	[smem:$0x3FB1] =	sst s10  }
0x35: {  	s10 =	sld [smem:$0x3FB0];
	_ =	sdelay $0x3  }
0x36: {  	p1 =	seq.s32 s10, $0x1;
	s10 =	sld [smem:$0x3FB1];
	_ =	sdelay $0x3  }
0x37: {  	[smem:$0x3FB1] =	sst s10  }
0x38: {  	s10 =	sld [smem:$0x3FB2]  }
0x39: {  	_ = 	snop;
	(pc) =	sbr.ind lr, $3  }
0x3a: {  	_ = 	snop  }
0x3b: {  	_ = 	snop  }
0x3c: {  	p2 =	seq.s32 s10, $0x1;
	s10 =	sld [smem:$0x3FB1]  }
0x3d: {  	_ =	shalt  }
0x3e: {  	_ =	shalt  }
0x3f: {  	_ =	shalt  }
0x40: {  	_ =	shalt  }
0x41: {  	_ =	shalt  }
0x42: {  	_ =	shalt  }
0x43: {  	_ =	shalt  }
0x44: {  	_ =	shalt  }
0x45: {  	_ =	shalt  }
0x46: {  	_ =	shalt  }
0x47: {  	_ =	shalt  }
0x48: {  	_ =	shalt  }
0x49: {  	_ =	shalt  }
0x4a: {  	_ =	shalt  }
0x4b: {  	_ =	shalt  }
0x4c: {  	_ =	shalt  }
0x4d: {  	_ =	shalt  }
0x4e: {  	_ =	shalt  }
0x4f: {  	_ =	shalt  }
0x50: {  	_ =	shalt  }
0x51: {  	_ =	shalt  }
0x52: {  	_ =	shalt  }
0x53: {  	_ =	shalt  }
0x54: {  	_ =	shalt  }
0x55: {  	_ =	shalt  }
0x56: {  	_ =	shalt  }
0x57: {  	_ =	shalt  }
0x58: {  	_ =	shalt  }
0x59: {  	_ =	shalt  }
0x5a: {  	_ =	shalt  }
0x5b: {  	_ =	shalt  }
0x5c: {  	_ =	shalt  }
0x5d: {  	_ =	shalt  }
0x5e: {  	_ =	shalt  }
0x5f: {  	_ =	shalt  }
0x60: {  	_ =	shalt  }
0x61: {  	_ =	shalt  }
0x62: {  	_ =	shalt  }
0x63: {  	_ =	shalt  }
0x64: {  	_ =	shalt  }
0x65: {  	_ =	shalt  }
0x66: {  	_ =	shalt  }
0x67: {  	_ =	shalt  }
0x68: {  	_ =	shalt  }
0x69: {  	_ =	shalt  }
0x6a: {  	_ =	shalt  }
0x6b: {  	_ =	shalt  }
0x6c: {  	_ =	shalt  }
0x6d: {  	_ =	shalt  }
0x6e: {  	_ =	shalt  }
0x6f: {  	_ =	shalt  }
0x70: {  	_ =	shalt  }
0x71: {  	_ =	shalt  }
0x72: {  	_ =	shalt  }
0x73: {  	_ =	shalt  }
0x74: {  	_ =	shalt  }
0x75: {  	_ =	shalt  }
0x76: {  	_ =	shalt  }
0x77: {  	_ =	shalt  }
0x78: {  	_ =	shalt  }
0x79: {  	_ =	shalt  }
0x7a: {  	_ =	shalt  }
0x7b: {  	_ =	shalt  }
0x7c: {  	_ =	shalt  }
0x7d: {  	_ =	shalt  }
0x7e: {  	_ =	shalt  }
0x7f: {  	_ =	shalt  }
0x80: {  	_ =	shalt  }
0x81: {  	_ =	shalt  }
0x82: {  	_ =	shalt  }
0x83: {  	_ =	shalt  }
0x84: {  	_ =	shalt  }
0x85: {  	_ =	shalt  }
0x86: {  	_ =	shalt  }
0x87: {  	_ =	shalt  }
.Lfunc_end0:
.L_simem_size_0:
called_computation_lowered:
.L_overlay_start_0:
0x88: {  	s2 =	sld [smem:$0x3FD9]  }
0x89: {  	s3 =	sld [smem:$0x3FFE];
	_ =	sdelay $0x1  }
0x8a: {  	s1 =	srdreg.scid  }
0x8b: {  	s0 =	sand.u32 $0x1, s1  }
0x8c: {  	s14 =	sshll.u32 s0, $0xA;
	s2 =	sadd.s32 s3, s2  }
0x8d: {  	s2 =	sadd.s32 s2, s14  }
0x8e: {  	[smem:$0x3FBD] =	sst s2  }
0x8f: {  	_ = 	snop  }
0x90: {  	s2 =	sld [smem:$0x3FD0];
	_ =	sdelay $0x2  }
0x91: {  	s15 =	simm.s32 $0xB;
	s4 =	simm.s32 $0x10  }
0x92: {  	[smem:s4], [sflag:s15] =	dma.local [hbm:s2], $0x1  }
0x93: {  	_ =	swait.eq [sflag:s15], $0x1  }
0x94: {  	[sflag:s15] =	ssyncset.done $0x0  }
0x95: {  	[sflag:s15] =	ssyncadd.s32 $0xFFFFFFFF  }
0x96: {  	s16 =	sld [smem:$0x11];
	(tm) =	ssettm $0x1  }
0x97: {  	s17 =	sld [smem:$0x3FFB];
	_ =	sdelay $0x3  }
0x98: {  	_ =	strace s17  }
0x99: {  	s3 =	sld [smem:$0x3FFC];
	_ =	sdelay $0x3  }
0x9a: {  	_ =	strace s3  }
0x9b: {  	s3 =	sld [smem:$0x3FFD];
	_ =	sdelay $0x3  }
0x9c: {  	_ =	strace s3  }
0x9d: {  	_ =	strace $0x8FFFFFFF  }
0x9e: {  	s18 =	sld [smem:$0x3FDB];
	_ =	sdelay $0x1  }
0x9f: {  	s19 =	simm.s32 $_scs_section_size  }
0xa0: {  	s5 =	simm.s32 $_size__tile_overlayer_lowered;
	s6 =	simm.s32 $_tile_overlayer_lowered  }
0xa1: {  	s22 =	simm.s32 $0x1BFF;
	s21 =	sshll.u32 s6, $0x1;
	s3 =	sadd.s32 s19, s18  }
0xa2: {  	s7 =	simm.s32 $0x0;
	s20 =	sshll.u32 s5, $0x1;
	s5 =	sadd.s32 s21, s3  }
0xa3: {  	[timem:s7], [sflag:s22] =	dma.local [hbm:s5], s20  }
0xa4: {  	_ =	swait.ge [sflag:s22], s20  }
0xa5: {  	s4 =	ssub.s32 $0x0, s20;
	[sflag:s22] =	ssyncset.done $0x0  }
0xa6: {  	[sflag:s22] =	ssyncadd.s32 s4;
	_ =	sdelay $0x1  }
0xa7: {  	s23 =	simm.s32 $0x1B8B  }
0xa8: {  	_ =	swait.ge [sflag:s23], $0x1  }
0xa9: {  	[sflag:s23] =	ssyncset.done $0x0  }
0xaa: {  	s25 =	simm.s32 $0x1B8E;
	s24 =	sld [smem:$0x3FFE];
	[sflag:s23] =	ssyncadd.s32 $0xFFFFFFFF  }
0xab: {  	s26 =	simm.s32 $execute0_lowered;
	[smem:$0x3FD2] =	sst s25  }
0xac: {  	s5 =	sshll.u32 s26, $0x1;
	_ =	strace $0x80000046;
	[dreg:$0x1] =	wrdreg $0xFFFFFFFF  }
0xad: {  	s28 =	simm.s32 $_size_execute0_lowered;
	s3 =	sadd.s32 s3, s5;
	[dreg:$0x0] =	wrdreg $0x0  }
0xae: {  	s5 =	sshll.u32 s28, $0x1;
	[dreg:$0x2] =	wrdreg s3  }
0xaf: {  	[dreg:$0x3] =	wrdreg s5  }
0xb0: {  	[dreg:$0x4] =	wrdreg $0xC0  }
0xb1: {  	_ =	task [dreg:s7], $0x5FFFF  }
0xb2: {  	[dreg:$0x1] =	wrdreg $0xFFFFFFFF  }
0xb3: {  	[dreg:$0x0] =	wrdreg $0x60  }
0xb4: {  	[dreg:$0x2] =	wrdreg s24  }
0xb5: {  	[dreg:$0x3] =	wrdreg s16  }
0xb6: {  	[dreg:$0x4] =	wrdreg $0x9  }
0xb7: {  	_ =	task.clear_ibuf [dreg:s7], $0x5FFFF;
	_ =	strace $0x90000046  }
0xb8: {  	s29 =	simm.s32 $0x9;
	_ =	strace $0x80000048  }
0xb9: {  	_ =	swait.ge [sflag:s29], $0x1  }
0xba: {  	[sflag:s29] =	ssyncadd.s32 $0xFFFFFFFF  }
0xbb: {  	_ =	strace $0x90000048  }
0xbc: {  	_ =	sfence  }
0xbd: {  	s30 =	sld [smem:$0x0];
	_ =	sdelay $0x2  }
0xbe: {  	s31 =	sshll.u32 s1, $0xD;
	s1 =	sshrl.u32 s1, $0x2  }
0xbf: {  	s3 =	sand.u32 $0x4000, s31;
	s1 =	sadd.s32 s1, s30  }
0xc0: {  	s0 =	sor.u32 s3, s0;
	s1 =	sshll.u32 s1, $0x11  }
0xc1: {  	s0 =	sor.u32 s1, s0  }
0xc2: {  	s0 =	sadd.s32 $0x8F2B, s0  }
0xc3: {  	[sflag:s0] =	ssyncadd.remote.s32 $0x1  }
0xc4: {  	_ =	sfence.sel $0xFFFF  }
0xc5: {  	[dreg:$0x0] =	wrdreg $0xFFFFFFFF;
	(pc) =	sbr.abs _section_cstart, $3  }
0xc6: {  	[dreg:$0x1] =	wrdreg $0xFFFFFFFF  }
0xc7: {  	_ =	task.clear_ibuf [dreg:s7], $0x2FFFF;
	_ =	strace $0x9FFFFFFF  }
0xc8: {  	(tm) =	ssettm $0x7FFFFFFF  }
0xc9: {  	_ =	shalt  }
tec
execute0_lowered:
.L_overlay_start_1:
0x0: {  	(tag) =	ssettag $0x1  }
0x1: {  	s4 =	rddreg [dreg:$0x0];
	s1 =	srdreg.scid  }
0x2: {  	s0 =	stileid.u32;
	s5 =	rddreg [dreg:$0x1];
	s2 =	simm.s32 $0x0  }
0x3: {  	s14 =	simm.s32 $0x1;
	s15 =	simm.s32 $0x2;
	s22 =	smul.u32 $0x90000, s0  }
0x4: {  	s16 =	simm.s32 $0x880;
	s7 =	sand.u32 $0x1, s1;
	s26 =	smul.u32 $0x12000, s0  }
0x5: {  	s17 =	simm.s32 $0x0;
	s3 =	sshll.u32 s0, $0x1;
	s24 =	smul.u32 $0x48000, s7  }
0x6: {  	s1 =	rddreg [dreg:$0x2];
	s6 =	sor.u32 s7, s3;
	s28 =	smul.u32 $0x9000, s7  }
0x7: {  	[smem:$0x7FF] =	sst s2;
	s13 =	sadd.s32 $0x12000, s4;
	s8 =	smul.u32 $0x180, s6  }
0x8: {  	_ =	strace $0x80000047;
	s9 =	ssub.s32 $0x2, s7;
	s10 =	smul.u32 $0x48000, s6  }
0x9: {  	s3 =	sadd.s32 $0x2000, s4;
	s11 =	sshrl.u32 s9, $0x1;
	s12 =	smul.u32 $0x9000, s6  }
0xa: {  	s30 =	sadd.s32 s26, s13;
	s21 =	ssub.s32 s9, s11;
	s9 =	sadd.s32 s24, s22  }
0xb: {  	s31 =	sadd.s32 s28, s30;
	s11 =	simm.s32 $0xC00;
	s4 =	sadd.s32 s5, s8  }
0xc: {  	s23 =	sshrl.u32 s10, $0x3;
	s5 =	smax.u32 s21, $0x1;
	s29 =	sadd.s32 s13, s12  }
0xd: {  	s9 =	sshrl.u32 s9, $0x3;
	s10 =	simm.s32 $0x3;
	s12 =	simm.s32 $0x80  }
0xe: {  	s25 =	sadd.s32 s13, s23;
	s7 =	sadd.s32 $0x8800, s29;
	s8 =	sadd.s32 s9, s13  }
0xf: {  	s9 =	sadd.s32 $0x800, s31;
	s13 =	simm.s32 $0x4C00;
	s6 =	sadd.s32 $0x8000, s25  }
.LBB2_1:
0x10: {  	[tilespmem:s2], [sflag:$0x3] =	stream.linear.gather [hbm4b:s4+s2], $0x900, $0x38;
	[tilespmem:$0x8C00] =	vst v63  }
0x11: {  	_ =	swait.ge [sflag:s10], $0x900  }
0x12: {  	[sflag:s10] =	ssyncset.done $0x0  }
0x13: {  	[sflag:s10] =	ssyncadd.s32 $0xFFFFF700  }
0x14: {  	[tilespmem:s11], [sflag:$0x1] =	stream.indirect.gather [hbm4b:s3+s12], $0x80, s2, s12, $0xb8;
	[tilespmem:$0x8C00] =	vst v63  }
0x15: {  	_ = 	snop  }
0x16: {  	[tilespmem:s13], [sflag:$0x2] =	stream.indirect.gather [hbm4b:s3+s12], $0x80, s12, s12, $0xb8;
	[tilespmem:$0x8C00] =	vst v63  }
0x17: {  	_ =	swait.ge [sflag:s14], $0x4000  }
0x18: {  	[sflag:s14] =	ssyncset.done $0x0  }
0x19: {  	s18 =	sadd.s32 $0x0, s8;
	[sflag:s14] =	ssyncadd.s32 $0xFFFFC000  }
0x1a: {  	[hbm4b:s18+s2] =	stream.linear.scatter [tilespmem:s11], [sflag:$0x3], $0x4000, $0x38;
	[tilespmem:$0x8C00] =	vst v63  }
0x1b: {  	_ =	swait.ge [sflag:s10], $0x4000  }
0x1c: {  	[sflag:s10] =	ssyncset.done $0x0  }
0x1d: {  	s30 =	simm.s32 $0x100;
	[sflag:s10] =	ssyncadd.s32 $0xFFFFC000  }
0x1e: {  	[tilespmem:s11], [sflag:$0x1] =	stream.indirect.gather [hbm4b:s3+s12], $0x80, s30, s12, $0xb8;
	[tilespmem:$0x8C00] =	vst v63  }
0x1f: {  	_ =	swait.ge [sflag:s15], $0x4000  }
0x20: {  	[sflag:s15] =	ssyncset.done $0x0  }
0x21: {  	s31 =	sadd.s32 $0x0, s9;
	[sflag:s15] =	ssyncadd.s32 $0xFFFFC000  }
0x22: {  	[hbm4b:s31+s2] =	stream.linear.scatter [tilespmem:s13], [sflag:$0x3], $0x4000, $0x38;
	[tilespmem:$0x8C00] =	vst v63  }
0x23: {  	_ =	swait.ge [sflag:s10], $0x4000  }
0x24: {  	s19 =	simm.s32 $0x80;
	s18 =	simm.s32 $0x1000;
	[sflag:s10] =	ssyncset.done $0x0  }
.LBB2_2:
0x25: {  	p0 =	sne.s32 s18, $0x7000;
	[sflag:s10] =	ssyncadd.s32 $0xFFFFC000;
	s19 =	sadd.s32 $0x100, s19  }
0x26: {  	[tilespmem:s13], [sflag:$0x2] =	stream.indirect.gather [hbm4b:s3+s12], $0x80, s19, s12, $0xb8;
	[tilespmem:$0x8C00] =	vst v63  }
0x27: {  	s20 =	smov.u32 s18;
	s18 =	sadd.s32 $0x1000, s18;
	_ =	swait.ge [sflag:s14], $0x4000  }
0x28: {  	[sflag:s14] =	ssyncset.done $0x0  }
0x29: {  	s21 =	sadd.s32 s20, s8;
	[sflag:s14] =	ssyncadd.s32 $0xFFFFC000  }
0x2a: {  	[hbm4b:s21+s2] =	stream.linear.scatter [tilespmem:s11], [sflag:$0x3], $0x4000, $0x38;
	[tilespmem:$0x8C00] =	vst v63  }
0x2b: {  	_ =	swait.ge [sflag:s10], $0x4000  }
0x2c: {  	[sflag:s10] =	ssyncset.done $0x0  }
0x2d: {  	s21 =	sadd.s32 $0x80, s19;
	[sflag:s10] =	ssyncadd.s32 $0xFFFFC000  }
0x2e: {  	[tilespmem:s11], [sflag:$0x1] =	stream.indirect.gather [hbm4b:s3+s12], $0x80, s21, s12, $0xb8;
	[tilespmem:$0x8C00] =	vst v63  }
0x2f: {  	_ =	swait.ge [sflag:s15], $0x4000  }
.Ltmp0:
0x30: {  	[sflag:s15] =	ssyncset.done $0x0;
	(pc) =	sbr.rel @p0 .LBB2_2-.Ltmp0, $4  }
0x31: {  	s20 =	sadd.s32 s20, s9;
	[sflag:s15] =	ssyncadd.s32 $0xFFFFC000  }
0x32: {  	[hbm4b:s20+s2] =	stream.linear.scatter [tilespmem:s13], [sflag:$0x3], $0x4000, $0x38;
	[tilespmem:$0x8C00] =	vst v63  }
0x33: {  	_ =	swait.ge [sflag:s10], $0x4000  }
0x34: {  	[sflag:s10] =	ssyncset.done $0x0  }
0x35: {  	[sflag:s10] =	ssyncadd.s32 $0xFFFFC000  }
0x36: {  	[tilespmem:s13], [sflag:$0x2] =	stream.indirect.gather [hbm4b:s3+s12], $0x80, s16, s12, $0xb8;
	[tilespmem:$0x8C00] =	vst v63  }
0x37: {  	_ =	swait.ge [sflag:s14], $0x4000  }
0x38: {  	[sflag:s14] =	ssyncset.done $0x0  }
0x39: {  	[sflag:s14] =	ssyncadd.s32 $0xFFFFC000  }
0x3a: {  	[hbm4b:s6+s2] =	stream.linear.scatter [tilespmem:s11], [sflag:$0x3], $0x4000, $0x38;
	[tilespmem:$0x8C00] =	vst v63  }
0x3b: {  	_ =	swait.ge [sflag:s10], $0x4000  }
0x3c: {  	[sflag:s10] =	ssyncset.done $0x0  }
0x3d: {  	[sflag:s10] =	ssyncadd.s32 $0xFFFFC000  }
0x3e: {  	s17 =	sadd.s32 $0x1, s17;
	_ =	swait.ge [sflag:s15], $0x4000  }
0x3f: {  	p0 =	sne.s32 s17, s5;
	[sflag:s15] =	ssyncset.done $0x0  }
.Ltmp1:
0x40: {  	[sflag:s15] =	ssyncadd.s32 $0xFFFFC000;
	(pc) =	sbr.rel @p0 .LBB2_1-.Ltmp1, $4  }
0x41: {  	[hbm4b:s7+s2] =	stream.linear.scatter [tilespmem:s13], [sflag:$0x3], $0x4000, $0x38;
	[tilespmem:$0x8C00] =	vst v63  }
0x42: {  	_ =	swait.ge [sflag:s10], $0x4000  }
0x43: {  	[sflag:s10] =	ssyncset.done $0x0  }
0x44: {  	[sflag:s10] =	ssyncadd.s32 $0xFFFFC000  }
0x45: {  	_ =	sfence.sel $0x180000  }
0x46: {  	[bflag:$0x0] =	sbarrier.arrive $0xFFFF  }
0x47: {  	p0 =	sne.s32 s0, $0x0;
	_ =	strace $0x90000047  }
0x48: {  	s0 =	sadd.s32 @!p0 $0x100000, s1;
	[bflag:$0x2] =	sbarrier.arrive $0xFFFF  }
0x49: {  	[sflag:s0] =	ssyncadd.tile.s32 @!p0 $0x1;
	_ =	shalt  }
.Lfunc_end2:
_tile_overlayer_lowered:
.L_overlay_start_2:
0x4a: {  	(tag) =	ssettag $0x2  }
0x4b: {  	s0 =	rddreg [dreg:$0x0];
	s2 =	stileid.u32  }
0x4c: {  	s1 =	rddreg [dreg:$0x1];
	p0 =	sne.s32 s2, $0x0  }
0x4d: {  	s3 =	rddreg [dreg:$0x2];
	[bflag:$0x3] =	sbarrier.arrive $0xFFFF;
	s2 =	simm.s32 @!p0 $0x1C03  }
0x4e: {  	[timem:s3], [sflag:s2] =	dma.local @!p0 [hbm:s0], s1  }
0x4f: {  	s0 =	simm.s32 @!p0 $0x3  }
0x50: {  	_ =	swait.ge @!p0 [sflag:s0], s1  }
0x51: {  	s1 =	ssub.s32 @!p0 $0x0, s1;
	[sflag:s0] =	ssyncset.done @!p0 $0x0  }
0x52: {  	[sflag:s0] =	ssyncadd.s32 @!p0 s1  }
0x53: {  	[bflag:$0x3] =	sbarrier.arrive $0xFFFF  }
0x54: {  	_ =	shalt  }

</sc_bundles>
